<compile_context>
chip_gen: v7x
topology: tpu7x:2x2x1
jax: 0.10.2.dev20260603
libtpu: 0.0.44.dev20260713+nightly
codegen_flags: <defaults>
</compile_context>

<pallas_src>
import math

import jax
import jax.numpy as jnp
from jax.experimental import pallas as pl
from jax.experimental.pallas import tpu as pltpu
from jax.experimental.pallas import tpu_sc as plsc

D_MODEL = 256
GRID_DIM = 30
G = 9


def _sc_gather_body(io_ref, pair_ref, ge_ref, buf):
    c = jax.lax.axis_index("c")
    s = jax.lax.axis_index("s")

    @pl.when(jnp.logical_and(c == 0, s == 0))
    def _():
        q = D_MODEL // 4
        for gg in range(G):
            pltpu.sync_copy(io_ref.at[pl.ds((gg % 2) * q, q)], buf)
            pltpu.sync_copy(buf, ge_ref.at[pl.ds(gg * 2 * q, q)])
            pltpu.sync_copy(pair_ref.at[pl.ds((gg // 2) * q, q)], buf)
            pltpu.sync_copy(buf, ge_ref.at[pl.ds(gg * 2 * q + q, q)])


def _tc_body(x_ref, ge_ref, o_ref, comb):
    b = pl.program_id(0)

    @pl.when(b == 0)
    def _init():
        dim = D_MODEL // 2
        h = jax.lax.broadcasted_iota(jnp.int32, (GRID_DIM, GRID_DIM, 2 * dim), 0)
        w = jax.lax.broadcasted_iota(jnp.int32, (GRID_DIM, GRID_DIM, 2 * dim), 1)
        c = jax.lax.broadcasted_iota(jnp.int32, (GRID_DIM, GRID_DIM, 2 * dim), 2)
        pos = jnp.where(c < dim, h, w).astype(jnp.float32)
        cl = c % dim
        freq = jnp.exp((cl - cl % 2).astype(jnp.float32) * (-math.log(10000.0) / dim))
        angle = pos * freq
        pos_emb = jnp.where(cl % 2 == 0, jnp.sin(angle), jnp.cos(angle))
        for gg in range(G):
            comb[gg, :, :, 0:256] = pos_emb
            comb[gg, :, :, 256:384] = jnp.broadcast_to(
                ge_ref[gg, :][None, None, :], (GRID_DIM, GRID_DIM, 2 * dim // 2))

    o_ref[0] = x_ref[0] + comb[...]


@jax.jit
def kernel(x, io_table, pair_table):
    B, Gd, H, W, C = x.shape
    ge = pl.kernel(
        _sc_gather_body,
        out_type=jax.ShapeDtypeStruct((G * 2 * (D_MODEL // 4),), jnp.float32),
        mesh=plsc.VectorSubcoreMesh(core_axis_name="c", subcore_axis_name="s"),
        scratch_types=[pltpu.VMEM((D_MODEL // 4,), jnp.float32)],
    )(io_table.reshape(-1), pair_table.reshape(-1))
    ge = ge.reshape(G, 2 * (D_MODEL // 4))
    return pl.pallas_call(
        _tc_body,
        grid=(B,),
        in_specs=[
            pl.BlockSpec((1, Gd, H, W, C), lambda b: (b, 0, 0, 0, 0)),
            pl.BlockSpec(memory_space=pltpu.VMEM),
        ],
        out_specs=pl.BlockSpec((1, Gd, H, W, C), lambda b: (b, 0, 0, 0, 0)),
        out_shape=jax.ShapeDtypeStruct((B, Gd, H, W, C), x.dtype),
        scratch_shapes=[
            pltpu.VMEM((G, H, W, C), jnp.float32),
        ],
        compiler_params=pltpu.CompilerParams(
            vmem_limit_bytes=100 * 1024 * 1024),
    )(x, ge)

# --- scband reference (transcript-rebuilt; emitter-appended) ---
"""Pipeline reference for scband-hybrid-arcpositional-encoding-910533066759 (READ-ONLY COPY).

The authoritative reference and input builder live on the scoring server;
editing this copy changes nothing except your own understanding.
"""

import jax, jax.numpy as jnp
import numpy as np

D_MODEL = 256
GRID_DIM = 30
NUM_TRAIN_PAIRS = 4


def setup_inputs(seed: int = 0) -> dict:
    key = jax.random.key(seed)
    k1, k2, k3 = jax.random.split(key, 3)
    # NOTE: forward concatenates pos (d_model) + io (d_model//4) + pair (d_model//4)
    # so x's last dim must be d_model * 3 // 2 = 384 for the residual add to work.
    x = jax.random.normal(k1, (32, 9, 30, 30, D_MODEL * 3 // 2), dtype=jnp.float32)
    io_table = jax.random.normal(k2, (2, D_MODEL // 4), dtype=jnp.float32)
    pair_table = jax.random.normal(k3, (NUM_TRAIN_PAIRS + 1, D_MODEL // 4), dtype=jnp.float32)
    return {"x": x, "io_table": io_table, "pair_table": pair_table}


def _sinusoidal_encoding(length, dim):
    position = jnp.arange(length, dtype=jnp.float32)[:, None]
    div_term = jnp.exp(jnp.arange(0, dim, 2, dtype=jnp.float32) * (-(np.log(10000.0) / dim)))
    enc = jnp.zeros((length, dim), dtype=jnp.float32)
    enc = enc.at[:, 0::2].set(jnp.sin(position * div_term))
    enc = enc.at[:, 1::2].set(jnp.cos(position * div_term))
    return enc


def reference(x, io_table, pair_table):
    B, G, H, W, _ = x.shape
    dim = D_MODEL // 2
    enc = _sinusoidal_encoding(GRID_DIM, dim)
    row_pos = jnp.broadcast_to(enc[:H][:, None, :], (H, W, dim))
    col_pos = jnp.broadcast_to(enc[:W][None, :, :], (H, W, dim))
    pos_emb = jnp.concatenate([row_pos, col_pos], axis=-1)
    pos_emb = jnp.broadcast_to(pos_emb[None, None], (B, G, H, W, 2 * dim))
    grid_indices = jnp.broadcast_to(jnp.arange(G)[None, :], (B, G))
    is_output = (grid_indices % 2 == 1).astype(jnp.int32)
    io_emb = jnp.take(io_table, is_output, axis=0)
    pair_indices = grid_indices // 2
    pair_indices = pair_indices.at[:, -1].set(NUM_TRAIN_PAIRS)
    pair_emb = jnp.take(pair_table, pair_indices, axis=0)
    io_emb = jnp.broadcast_to(io_emb[:, :, None, None, :], (B, G, H, W, D_MODEL // 4))
    pair_emb = jnp.broadcast_to(pair_emb[:, :, None, None, :], (B, G, H, W, D_MODEL // 4))
    combined_emb = jnp.concatenate([pos_emb, io_emb, pair_emb], axis=-1)
    return x + combined_emb

if __name__ == "__main__":
    import jax
    _d = setup_inputs()
    print(jax.jit(kernel)(*tuple(_d.values())))

</pallas_src>

<mosaic_0001>
#map = affine_map<(d0, d1) -> (0)>
module attributes {stable_mosaic.version = 14 : i64} {
  func.func @_sc_gather_body(%arg0: i32, %arg1: i32, %arg2: memref<128xf32, #tpu.memory_space<hbm>>, %arg3: memref<320xf32, #tpu.memory_space<hbm>>, %arg4: memref<1152xf32, #tpu.memory_space<hbm>>, %arg5: memref<64xf32, #tpu.memory_space<vmem>>) attributes {dimension_semantics = [#tpu.dimension_semantics<core_parallel>, #tpu.dimension_semantics<subcore_parallel>], iteration_bounds = array<i64: 2, 16>, scalar_prefetch = 0 : i64, scratch_operands = 1 : i64, tpu.core_type = #tpu.core_type<sc_vector_subcore>, window_params = [{transform_indices = #map}, {transform_indices = #map}, {transform_indices = #map}]} {
    %eq3A = arith.constant 0 : i32
    %eq3A_0 = arith.cmpi eq, %arg0, %eq3A : i32
    %eq3A_1 = arith.constant 0 : i32
    %eq3A_2 = arith.cmpi eq, %arg1, %eq3A_1 : i32
    %and3A = arith.andi %eq3A_0, %eq3A_2 : i1
    %convert_element_type3A = arith.extui %and3A : i1 to i32
    %cond3A = arith.constant 0 : i32
    %cond3A_3 = arith.cmpi ne, %convert_element_type3A, %cond3A : i32
    scf.if %cond3A_3 {
      "tpu.region"() ({
        %run_scoped3A = tpu.sem_alloc : memref<!tpu.dma_semaphore, #tpu.memory_space<semaphore_mem>>
        %dma_start3A = arith.constant 0 : i32
        %dma_start3A_4 = tpu.memref_slice %arg2[%dma_start3A] : memref<128xf32, #tpu.memory_space<hbm>> -> memref<64xf32, #tpu.memory_space<hbm>>
        %dma_start3A_5 = arith.constant 0 : i32
        %dma_start3A_6 = tpu.memref_slice %arg2[%dma_start3A_5] : memref<128xf32, #tpu.memory_space<hbm>> -> memref<64xf32, #tpu.memory_space<hbm>>
        tpu.enqueue_dma source(%dma_start3A_6 : memref<64xf32, #tpu.memory_space<hbm>>) target(%arg5 : memref<64xf32, #tpu.memory_space<vmem>>) target_semaphore(%run_scoped3A : memref<!tpu.dma_semaphore, #tpu.memory_space<semaphore_mem>>)
        %dma_wait3A = arith.constant 0 : i32
        %dma_wait3A_7 = tpu.memref_slice %arg2[%dma_wait3A] : memref<128xf32, #tpu.memory_space<hbm>> -> memref<64xf32, #tpu.memory_space<hbm>>
        %dma_wait3A_8 = arith.constant 0 : i32
        %dma_wait3A_9 = tpu.memref_slice %arg2[%dma_wait3A_8] : memref<128xf32, #tpu.memory_space<hbm>> -> memref<64xf32, #tpu.memory_space<hbm>>
        tpu.wait_dma2 semaphore(%run_scoped3A : memref<!tpu.dma_semaphore, #tpu.memory_space<semaphore_mem>>) src(%dma_wait3A_9 : memref<64xf32, #tpu.memory_space<hbm>>) dst(%arg5 : memref<64xf32, #tpu.memory_space<vmem>>)
        tpu.yield
      }) : () -> ()
      "tpu.region"() ({
        %run_scoped3A = tpu.sem_alloc : memref<!tpu.dma_semaphore, #tpu.memory_space<semaphore_mem>>
        %dma_start3A = arith.constant 0 : i32
        %dma_start3A_4 = tpu.memref_slice %arg4[%dma_start3A] : memref<1152xf32, #tpu.memory_space<hbm>> -> memref<64xf32, #tpu.memory_space<hbm>>
        %dma_start3A_5 = arith.constant 0 : i32
        %dma_start3A_6 = tpu.memref_slice %arg4[%dma_start3A_5] : memref<1152xf32, #tpu.memory_space<hbm>> -> memref<64xf32, #tpu.memory_space<hbm>>
        tpu.enqueue_dma source(%arg5 : memref<64xf32, #tpu.memory_space<vmem>>) target(%dma_start3A_6 : memref<64xf32, #tpu.memory_space<hbm>>) target_semaphore(%run_scoped3A : memref<!tpu.dma_semaphore, #tpu.memory_space<semaphore_mem>>)
        %dma_wait3A = arith.constant 0 : i32
        %dma_wait3A_7 = tpu.memref_slice %arg4[%dma_wait3A] : memref<1152xf32, #tpu.memory_space<hbm>> -> memref<64xf32, #tpu.memory_space<hbm>>
        %dma_wait3A_8 = arith.constant 0 : i32
        %dma_wait3A_9 = tpu.memref_slice %arg4[%dma_wait3A_8] : memref<1152xf32, #tpu.memory_space<hbm>> -> memref<64xf32, #tpu.memory_space<hbm>>
        tpu.wait_dma2 semaphore(%run_scoped3A : memref<!tpu.dma_semaphore, #tpu.memory_space<semaphore_mem>>) src(%arg5 : memref<64xf32, #tpu.memory_space<vmem>>) dst(%dma_wait3A_9 : memref<64xf32, #tpu.memory_space<hbm>>)
        tpu.yield
      }) : () -> ()
      "tpu.region"() ({
        %run_scoped3A = tpu.sem_alloc : memref<!tpu.dma_semaphore, #tpu.memory_space<semaphore_mem>>
        %dma_start3A = arith.constant 0 : i32
        %dma_start3A_4 = tpu.memref_slice %arg3[%dma_start3A] : memref<320xf32, #tpu.memory_space<hbm>> -> memref<64xf32, #tpu.memory_space<hbm>>
        %dma_start3A_5 = arith.constant 0 : i32
        %dma_start3A_6 = tpu.memref_slice %arg3[%dma_start3A_5] : memref<320xf32, #tpu.memory_space<hbm>> -> memref<64xf32, #tpu.memory_space<hbm>>
        tpu.enqueue_dma source(%dma_start3A_6 : memref<64xf32, #tpu.memory_space<hbm>>) target(%arg5 : memref<64xf32, #tpu.memory_space<vmem>>) target_semaphore(%run_scoped3A : memref<!tpu.dma_semaphore, #tpu.memory_space<semaphore_mem>>)
        %dma_wait3A = arith.constant 0 : i32
        %dma_wait3A_7 = tpu.memref_slice %arg3[%dma_wait3A] : memref<320xf32, #tpu.memory_space<hbm>> -> memref<64xf32, #tpu.memory_space<hbm>>
        %dma_wait3A_8 = arith.constant 0 : i32
        %dma_wait3A_9 = tpu.memref_slice %arg3[%dma_wait3A_8] : memref<320xf32, #tpu.memory_space<hbm>> -> memref<64xf32, #tpu.memory_space<hbm>>
        tpu.wait_dma2 semaphore(%run_scoped3A : memref<!tpu.dma_semaphore, #tpu.memory_space<semaphore_mem>>) src(%dma_wait3A_9 : memref<64xf32, #tpu.memory_space<hbm>>) dst(%arg5 : memref<64xf32, #tpu.memory_space<vmem>>)
        tpu.yield
      }) : () -> ()
      "tpu.region"() ({
        %run_scoped3A = tpu.sem_alloc : memref<!tpu.dma_semaphore, #tpu.memory_space<semaphore_mem>>
        %dma_start3A = arith.constant 64 : i32
        %dma_start3A_4 = tpu.memref_slice %arg4[%dma_start3A] : memref<1152xf32, #tpu.memory_space<hbm>> -> memref<64xf32, #tpu.memory_space<hbm>>
        %dma_start3A_5 = arith.constant 64 : i32
        %dma_start3A_6 = tpu.memref_slice %arg4[%dma_start3A_5] : memref<1152xf32, #tpu.memory_space<hbm>> -> memref<64xf32, #tpu.memory_space<hbm>>
        tpu.enqueue_dma source(%arg5 : memref<64xf32, #tpu.memory_space<vmem>>) target(%dma_start3A_6 : memref<64xf32, #tpu.memory_space<hbm>>) target_semaphore(%run_scoped3A : memref<!tpu.dma_semaphore, #tpu.memory_space<semaphore_mem>>)
        %dma_wait3A = arith.constant 64 : i32
        %dma_wait3A_7 = tpu.memref_slice %arg4[%dma_wait3A] : memref<1152xf32, #tpu.memory_space<hbm>> -> memref<64xf32, #tpu.memory_space<hbm>>
        %dma_wait3A_8 = arith.constant 64 : i32
        %dma_wait3A_9 = tpu.memref_slice %arg4[%dma_wait3A_8] : memref<1152xf32, #tpu.memory_space<hbm>> -> memref<64xf32, #tpu.memory_space<hbm>>
        tpu.wait_dma2 semaphore(%run_scoped3A : memref<!tpu.dma_semaphore, #tpu.memory_space<semaphore_mem>>) src(%arg5 : memref<64xf32, #tpu.memory_space<vmem>>) dst(%dma_wait3A_9 : memref<64xf32, #tpu.memory_space<hbm>>)
        tpu.yield
      }) : () -> ()
      "tpu.region"() ({
        %run_scoped3A = tpu.sem_alloc : memref<!tpu.dma_semaphore, #tpu.memory_space<semaphore_mem>>
        %dma_start3A = arith.constant 64 : i32
        %dma_start3A_4 = tpu.memref_slice %arg2[%dma_start3A] : memref<128xf32, #tpu.memory_space<hbm>> -> memref<64xf32, #tpu.memory_space<hbm>>
        %dma_start3A_5 = arith.constant 64 : i32
        %dma_start3A_6 = tpu.memref_slice %arg2[%dma_start3A_5] : memref<128xf32, #tpu.memory_space<hbm>> -> memref<64xf32, #tpu.memory_space<hbm>>
        tpu.enqueue_dma source(%dma_start3A_6 : memref<64xf32, #tpu.memory_space<hbm>>) target(%arg5 : memref<64xf32, #tpu.memory_space<vmem>>) target_semaphore(%run_scoped3A : memref<!tpu.dma_semaphore, #tpu.memory_space<semaphore_mem>>)
        %dma_wait3A = arith.constant 64 : i32
        %dma_wait3A_7 = tpu.memref_slice %arg2[%dma_wait3A] : memref<128xf32, #tpu.memory_space<hbm>> -> memref<64xf32, #tpu.memory_space<hbm>>
        %dma_wait3A_8 = arith.constant 64 : i32
        %dma_wait3A_9 = tpu.memref_slice %arg2[%dma_wait3A_8] : memref<128xf32, #tpu.memory_space<hbm>> -> memref<64xf32, #tpu.memory_space<hbm>>
        tpu.wait_dma2 semaphore(%run_scoped3A : memref<!tpu.dma_semaphore, #tpu.memory_space<semaphore_mem>>) src(%dma_wait3A_9 : memref<64xf32, #tpu.memory_space<hbm>>) dst(%arg5 : memref<64xf32, #tpu.memory_space<vmem>>)
        tpu.yield
      }) : () -> ()
      "tpu.region"() ({
        %run_scoped3A = tpu.sem_alloc : memref<!tpu.dma_semaphore, #tpu.memory_space<semaphore_mem>>
        %dma_start3A = arith.constant 128 : i32
        %dma_start3A_4 = tpu.memref_slice %arg4[%dma_start3A] : memref<1152xf32, #tpu.memory_space<hbm>> -> memref<64xf32, #tpu.memory_space<hbm>>
        %dma_start3A_5 = arith.constant 128 : i32
        %dma_start3A_6 = tpu.memref_slice %arg4[%dma_start3A_5] : memref<1152xf32, #tpu.memory_space<hbm>> -> memref<64xf32, #tpu.memory_space<hbm>>
        tpu.enqueue_dma source(%arg5 : memref<64xf32, #tpu.memory_space<vmem>>) target(%dma_start3A_6 : memref<64xf32, #tpu.memory_space<hbm>>) target_semaphore(%run_scoped3A : memref<!tpu.dma_semaphore, #tpu.memory_space<semaphore_mem>>)
        %dma_wait3A = arith.constant 128 : i32
        %dma_wait3A_7 = tpu.memref_slice %arg4[%dma_wait3A] : memref<1152xf32, #tpu.memory_space<hbm>> -> memref<64xf32, #tpu.memory_space<hbm>>
        %dma_wait3A_8 = arith.constant 128 : i32
        %dma_wait3A_9 = tpu.memref_slice %arg4[%dma_wait3A_8] : memref<1152xf32, #tpu.memory_space<hbm>> -> memref<64xf32, #tpu.memory_space<hbm>>
        tpu.wait_dma2 semaphore(%run_scoped3A : memref<!tpu.dma_semaphore, #tpu.memory_space<semaphore_mem>>) src(%arg5 : memref<64xf32, #tpu.memory_space<vmem>>) dst(%dma_wait3A_9 : memref<64xf32, #tpu.memory_space<hbm>>)
        tpu.yield
      }) : () -> ()
      "tpu.region"() ({
        %run_scoped3A = tpu.sem_alloc : memref<!tpu.dma_semaphore, #tpu.memory_space<semaphore_mem>>
        %dma_start3A = arith.constant 0 : i32
        %dma_start3A_4 = tpu.memref_slice %arg3[%dma_start3A] : memref<320xf32, #tpu.memory_space<hbm>> -> memref<64xf32, #tpu.memory_space<hbm>>
        %dma_start3A_5 = arith.constant 0 : i32
        %dma_start3A_6 = tpu.memref_slice %arg3[%dma_start3A_5] : memref<320xf32, #tpu.memory_space<hbm>> -> memref<64xf32, #tpu.memory_space<hbm>>
        tpu.enqueue_dma source(%dma_start3A_6 : memref<64xf32, #tpu.memory_space<hbm>>) target(%arg5 : memref<64xf32, #tpu.memory_space<vmem>>) target_semaphore(%run_scoped3A : memref<!tpu.dma_semaphore, #tpu.memory_space<semaphore_mem>>)
        %dma_wait3A = arith.constant 0 : i32
        %dma_wait3A_7 = tpu.memref_slice %arg3[%dma_wait3A] : memref<320xf32, #tpu.memory_space<hbm>> -> memref<64xf32, #tpu.memory_space<hbm>>
        %dma_wait3A_8 = arith.constant 0 : i32
        %dma_wait3A_9 = tpu.memref_slice %arg3[%dma_wait3A_8] : memref<320xf32, #tpu.memory_space<hbm>> -> memref<64xf32, #tpu.memory_space<hbm>>
        tpu.wait_dma2 semaphore(%run_scoped3A : memref<!tpu.dma_semaphore, #tpu.memory_space<semaphore_mem>>) src(%dma_wait3A_9 : memref<64xf32, #tpu.memory_space<hbm>>) dst(%arg5 : memref<64xf32, #tpu.memory_space<vmem>>)
        tpu.yield
      }) : () -> ()
      "tpu.region"() ({
        %run_scoped3A = tpu.sem_alloc : memref<!tpu.dma_semaphore, #tpu.memory_space<semaphore_mem>>
        %dma_start3A = arith.constant 192 : i32
        %dma_start3A_4 = tpu.memref_slice %arg4[%dma_start3A] : memref<1152xf32, #tpu.memory_space<hbm>> -> memref<64xf32, #tpu.memory_space<hbm>>
        %dma_start3A_5 = arith.constant 192 : i32
        %dma_start3A_6 = tpu.memref_slice %arg4[%dma_start3A_5] : memref<1152xf32, #tpu.memory_space<hbm>> -> memref<64xf32, #tpu.memory_space<hbm>>
        tpu.enqueue_dma source(%arg5 : memref<64xf32, #tpu.memory_space<vmem>>) target(%dma_start3A_6 : memref<64xf32, #tpu.memory_space<hbm>>) target_semaphore(%run_scoped3A : memref<!tpu.dma_semaphore, #tpu.memory_space<semaphore_mem>>)
        %dma_wait3A = arith.constant 192 : i32
        %dma_wait3A_7 = tpu.memref_slice %arg4[%dma_wait3A] : memref<1152xf32, #tpu.memory_space<hbm>> -> memref<64xf32, #tpu.memory_space<hbm>>
        %dma_wait3A_8 = arith.constant 192 : i32
        %dma_wait3A_9 = tpu.memref_slice %arg4[%dma_wait3A_8] : memref<1152xf32, #tpu.memory_space<hbm>> -> memref<64xf32, #tpu.memory_space<hbm>>
        tpu.wait_dma2 semaphore(%run_scoped3A : memref<!tpu.dma_semaphore, #tpu.memory_space<semaphore_mem>>) src(%arg5 : memref<64xf32, #tpu.memory_space<vmem>>) dst(%dma_wait3A_9 : memref<64xf32, #tpu.memory_space<hbm>>)
        tpu.yield
      }) : () -> ()
      "tpu.region"() ({
        %run_scoped3A = tpu.sem_alloc : memref<!tpu.dma_semaphore, #tpu.memory_space<semaphore_mem>>
        %dma_start3A = arith.constant 0 : i32
        %dma_start3A_4 = tpu.memref_slice %arg2[%dma_start3A] : memref<128xf32, #tpu.memory_space<hbm>> -> memref<64xf32, #tpu.memory_space<hbm>>
        %dma_start3A_5 = arith.constant 0 : i32
        %dma_start3A_6 = tpu.memref_slice %arg2[%dma_start3A_5] : memref<128xf32, #tpu.memory_space<hbm>> -> memref<64xf32, #tpu.memory_space<hbm>>
        tpu.enqueue_dma source(%dma_start3A_6 : memref<64xf32, #tpu.memory_space<hbm>>) target(%arg5 : memref<64xf32, #tpu.memory_space<vmem>>) target_semaphore(%run_scoped3A : memref<!tpu.dma_semaphore, #tpu.memory_space<semaphore_mem>>)
        %dma_wait3A = arith.constant 0 : i32
        %dma_wait3A_7 = tpu.memref_slice %arg2[%dma_wait3A] : memref<128xf32, #tpu.memory_space<hbm>> -> memref<64xf32, #tpu.memory_space<hbm>>
        %dma_wait3A_8 = arith.constant 0 : i32
        %dma_wait3A_9 = tpu.memref_slice %arg2[%dma_wait3A_8] : memref<128xf32, #tpu.memory_space<hbm>> -> memref<64xf32, #tpu.memory_space<hbm>>
        tpu.wait_dma2 semaphore(%run_scoped3A : memref<!tpu.dma_semaphore, #tpu.memory_space<semaphore_mem>>) src(%dma_wait3A_9 : memref<64xf32, #tpu.memory_space<hbm>>) dst(%arg5 : memref<64xf32, #tpu.memory_space<vmem>>)
        tpu.yield
      }) : () -> ()
      "tpu.region"() ({
        %run_scoped3A = tpu.sem_alloc : memref<!tpu.dma_semaphore, #tpu.memory_space<semaphore_mem>>
        %dma_start3A = arith.constant 256 : i32
        %dma_start3A_4 = tpu.memref_slice %arg4[%dma_start3A] : memref<1152xf32, #tpu.memory_space<hbm>> -> memref<64xf32, #tpu.memory_space<hbm>>
        %dma_start3A_5 = arith.constant 256 : i32
        %dma_start3A_6 = tpu.memref_slice %arg4[%dma_start3A_5] : memref<1152xf32, #tpu.memory_space<hbm>> -> memref<64xf32, #tpu.memory_space<hbm>>
        tpu.enqueue_dma source(%arg5 : memref<64xf32, #tpu.memory_space<vmem>>) target(%dma_start3A_6 : memref<64xf32, #tpu.memory_space<hbm>>) target_semaphore(%run_scoped3A : memref<!tpu.dma_semaphore, #tpu.memory_space<semaphore_mem>>)
        %dma_wait3A = arith.constant 256 : i32
        %dma_wait3A_7 = tpu.memref_slice %arg4[%dma_wait3A] : memref<1152xf32, #tpu.memory_space<hbm>> -> memref<64xf32, #tpu.memory_space<hbm>>
        %dma_wait3A_8 = arith.constant 256 : i32
        %dma_wait3A_9 = tpu.memref_slice %arg4[%dma_wait3A_8] : memref<1152xf32, #tpu.memory_space<hbm>> -> memref<64xf32, #tpu.memory_space<hbm>>
        tpu.wait_dma2 semaphore(%run_scoped3A : memref<!tpu.dma_semaphore, #tpu.memory_space<semaphore_mem>>) src(%arg5 : memref<64xf32, #tpu.memory_space<vmem>>) dst(%dma_wait3A_9 : memref<64xf32, #tpu.memory_space<hbm>>)
        tpu.yield
      }) : () -> ()
      "tpu.region"() ({
        %run_scoped3A = tpu.sem_alloc : memref<!tpu.dma_semaphore, #tpu.memory_space<semaphore_mem>>
        %dma_start3A = arith.constant 64 : i32
        %dma_start3A_4 = tpu.memref_slice %arg3[%dma_start3A] : memref<320xf32, #tpu.memory_space<hbm>> -> memref<64xf32, #tpu.memory_space<hbm>>
        %dma_start3A_5 = arith.constant 64 : i32
        %dma_start3A_6 = tpu.memref_slice %arg3[%dma_start3A_5] : memref<320xf32, #tpu.memory_space<hbm>> -> memref<64xf32, #tpu.memory_space<hbm>>
        tpu.enqueue_dma source(%dma_start3A_6 : memref<64xf32, #tpu.memory_space<hbm>>) target(%arg5 : memref<64xf32, #tpu.memory_space<vmem>>) target_semaphore(%run_scoped3A : memref<!tpu.dma_semaphore, #tpu.memory_space<semaphore_mem>>)
        %dma_wait3A = arith.constant 64 : i32
        %dma_wait3A_7 = tpu.memref_slice %arg3[%dma_wait3A] : memref<320xf32, #tpu.memory_space<hbm>> -> memref<64xf32, #tpu.memory_space<hbm>>
        %dma_wait3A_8 = arith.constant 64 : i32
        %dma_wait3A_9 = tpu.memref_slice %arg3[%dma_wait3A_8] : memref<320xf32, #tpu.memory_space<hbm>> -> memref<64xf32, #tpu.memory_space<hbm>>
        tpu.wait_dma2 semaphore(%run_scoped3A : memref<!tpu.dma_semaphore, #tpu.memory_space<semaphore_mem>>) src(%dma_wait3A_9 : memref<64xf32, #tpu.memory_space<hbm>>) dst(%arg5 : memref<64xf32, #tpu.memory_space<vmem>>)
        tpu.yield
      }) : () -> ()
      "tpu.region"() ({
        %run_scoped3A = tpu.sem_alloc : memref<!tpu.dma_semaphore, #tpu.memory_space<semaphore_mem>>
        %dma_start3A = arith.constant 320 : i32
        %dma_start3A_4 = tpu.memref_slice %arg4[%dma_start3A] : memref<1152xf32, #tpu.memory_space<hbm>> -> memref<64xf32, #tpu.memory_space<hbm>>
        %dma_start3A_5 = arith.constant 320 : i32
        %dma_start3A_6 = tpu.memref_slice %arg4[%dma_start3A_5] : memref<1152xf32, #tpu.memory_space<hbm>> -> memref<64xf32, #tpu.memory_space<hbm>>
        tpu.enqueue_dma source(%arg5 : memref<64xf32, #tpu.memory_space<vmem>>) target(%dma_start3A_6 : memref<64xf32, #tpu.memory_space<hbm>>) target_semaphore(%run_scoped3A : memref<!tpu.dma_semaphore, #tpu.memory_space<semaphore_mem>>)
        %dma_wait3A = arith.constant 320 : i32
        %dma_wait3A_7 = tpu.memref_slice %arg4[%dma_wait3A] : memref<1152xf32, #tpu.memory_space<hbm>> -> memref<64xf32, #tpu.memory_space<hbm>>
        %dma_wait3A_8 = arith.constant 320 : i32
        %dma_wait3A_9 = tpu.memref_slice %arg4[%dma_wait3A_8] : memref<1152xf32, #tpu.memory_space<hbm>> -> memref<64xf32, #tpu.memory_space<hbm>>
        tpu.wait_dma2 semaphore(%run_scoped3A : memref<!tpu.dma_semaphore, #tpu.memory_space<semaphore_mem>>) src(%arg5 : memref<64xf32, #tpu.memory_space<vmem>>) dst(%dma_wait3A_9 : memref<64xf32, #tpu.memory_space<hbm>>)
        tpu.yield
      }) : () -> ()
      "tpu.region"() ({
        %run_scoped3A = tpu.sem_alloc : memref<!tpu.dma_semaphore, #tpu.memory_space<semaphore_mem>>
        %dma_start3A = arith.constant 64 : i32
        %dma_start3A_4 = tpu.memref_slice %arg2[%dma_start3A] : memref<128xf32, #tpu.memory_space<hbm>> -> memref<64xf32, #tpu.memory_space<hbm>>
        %dma_start3A_5 = arith.constant 64 : i32
        %dma_start3A_6 = tpu.memref_slice %arg2[%dma_start3A_5] : memref<128xf32, #tpu.memory_space<hbm>> -> memref<64xf32, #tpu.memory_space<hbm>>
        tpu.enqueue_dma source(%dma_start3A_6 : memref<64xf32, #tpu.memory_space<hbm>>) target(%arg5 : memref<64xf32, #tpu.memory_space<vmem>>) target_semaphore(%run_scoped3A : memref<!tpu.dma_semaphore, #tpu.memory_space<semaphore_mem>>)
        %dma_wait3A = arith.constant 64 : i32
        %dma_wait3A_7 = tpu.memref_slice %arg2[%dma_wait3A] : memref<128xf32, #tpu.memory_space<hbm>> -> memref<64xf32, #tpu.memory_space<hbm>>
        %dma_wait3A_8 = arith.constant 64 : i32
        %dma_wait3A_9 = tpu.memref_slice %arg2[%dma_wait3A_8] : memref<128xf32, #tpu.memory_space<hbm>> -> memref<64xf32, #tpu.memory_space<hbm>>
        tpu.wait_dma2 semaphore(%run_scoped3A : memref<!tpu.dma_semaphore, #tpu.memory_space<semaphore_mem>>) src(%dma_wait3A_9 : memref<64xf32, #tpu.memory_space<hbm>>) dst(%arg5 : memref<64xf32, #tpu.memory_space<vmem>>)
        tpu.yield
      }) : () -> ()
      "tpu.region"() ({
        %run_scoped3A = tpu.sem_alloc : memref<!tpu.dma_semaphore, #tpu.memory_space<semaphore_mem>>
        %dma_start3A = arith.constant 384 : i32
        %dma_start3A_4 = tpu.memref_slice %arg4[%dma_start3A] : memref<1152xf32, #tpu.memory_space<hbm>> -> memref<64xf32, #tpu.memory_space<hbm>>
        %dma_start3A_5 = arith.constant 384 : i32
        %dma_start3A_6 = tpu.memref_slice %arg4[%dma_start3A_5] : memref<1152xf32, #tpu.memory_space<hbm>> -> memref<64xf32, #tpu.memory_space<hbm>>
        tpu.enqueue_dma source(%arg5 : memref<64xf32, #tpu.memory_space<vmem>>) target(%dma_start3A_6 : memref<64xf32, #tpu.memory_space<hbm>>) target_semaphore(%run_scoped3A : memref<!tpu.dma_semaphore, #tpu.memory_space<semaphore_mem>>)
        %dma_wait3A = arith.constant 384 : i32
        %dma_wait3A_7 = tpu.memref_slice %arg4[%dma_wait3A] : memref<1152xf32, #tpu.memory_space<hbm>> -> memref<64xf32, #tpu.memory_space<hbm>>
        %dma_wait3A_8 = arith.constant 384 : i32
        %dma_wait3A_9 = tpu.memref_slice %arg4[%dma_wait3A_8] : memref<1152xf32, #tpu.memory_space<hbm>> -> memref<64xf32, #tpu.memory_space<hbm>>
        tpu.wait_dma2 semaphore(%run_scoped3A : memref<!tpu.dma_semaphore, #tpu.memory_space<semaphore_mem>>) src(%arg5 : memref<64xf32, #tpu.memory_space<vmem>>) dst(%dma_wait3A_9 : memref<64xf32, #tpu.memory_space<hbm>>)
        tpu.yield
      }) : () -> ()
      "tpu.region"() ({
        %run_scoped3A = tpu.sem_alloc : memref<!tpu.dma_semaphore, #tpu.memory_space<semaphore_mem>>
        %dma_start3A = arith.constant 64 : i32
        %dma_start3A_4 = tpu.memref_slice %arg3[%dma_start3A] : memref<320xf32, #tpu.memory_space<hbm>> -> memref<64xf32, #tpu.memory_space<hbm>>
        %dma_start3A_5 = arith.constant 64 : i32
        %dma_start3A_6 = tpu.memref_slice %arg3[%dma_start3A_5] : memref<320xf32, #tpu.memory_space<hbm>> -> memref<64xf32, #tpu.memory_space<hbm>>
        tpu.enqueue_dma source(%dma_start3A_6 : memref<64xf32, #tpu.memory_space<hbm>>) target(%arg5 : memref<64xf32, #tpu.memory_space<vmem>>) target_semaphore(%run_scoped3A : memref<!tpu.dma_semaphore, #tpu.memory_space<semaphore_mem>>)
        %dma_wait3A = arith.constant 64 : i32
        %dma_wait3A_7 = tpu.memref_slice %arg3[%dma_wait3A] : memref<320xf32, #tpu.memory_space<hbm>> -> memref<64xf32, #tpu.memory_space<hbm>>
        %dma_wait3A_8 = arith.constant 64 : i32
        %dma_wait3A_9 = tpu.memref_slice %arg3[%dma_wait3A_8] : memref<320xf32, #tpu.memory_space<hbm>> -> memref<64xf32, #tpu.memory_space<hbm>>
        tpu.wait_dma2 semaphore(%run_scoped3A : memref<!tpu.dma_semaphore, #tpu.memory_space<semaphore_mem>>) src(%dma_wait3A_9 : memref<64xf32, #tpu.memory_space<hbm>>) dst(%arg5 : memref<64xf32, #tpu.memory_space<vmem>>)
        tpu.yield
      }) : () -> ()
      "tpu.region"() ({
        %run_scoped3A = tpu.sem_alloc : memref<!tpu.dma_semaphore, #tpu.memory_space<semaphore_mem>>
        %dma_start3A = arith.constant 448 : i32
        %dma_start3A_4 = tpu.memref_slice %arg4[%dma_start3A] : memref<1152xf32, #tpu.memory_space<hbm>> -> memref<64xf32, #tpu.memory_space<hbm>>
        %dma_start3A_5 = arith.constant 448 : i32
        %dma_start3A_6 = tpu.memref_slice %arg4[%dma_start3A_5] : memref<1152xf32, #tpu.memory_space<hbm>> -> memref<64xf32, #tpu.memory_space<hbm>>
        tpu.enqueue_dma source(%arg5 : memref<64xf32, #tpu.memory_space<vmem>>) target(%dma_start3A_6 : memref<64xf32, #tpu.memory_space<hbm>>) target_semaphore(%run_scoped3A : memref<!tpu.dma_semaphore, #tpu.memory_space<semaphore_mem>>)
        %dma_wait3A = arith.constant 448 : i32
        %dma_wait3A_7 = tpu.memref_slice %arg4[%dma_wait3A] : memref<1152xf32, #tpu.memory_space<hbm>> -> memref<64xf32, #tpu.memory_space<hbm>>
        %dma_wait3A_8 = arith.constant 448 : i32
        %dma_wait3A_9 = tpu.memref_slice %arg4[%dma_wait3A_8] : memref<1152xf32, #tpu.memory_space<hbm>> -> memref<64xf32, #tpu.memory_space<hbm>>
        tpu.wait_dma2 semaphore(%run_scoped3A : memref<!tpu.dma_semaphore, #tpu.memory_space<semaphore_mem>>) src(%arg5 : memref<64xf32, #tpu.memory_space<vmem>>) dst(%dma_wait3A_9 : memref<64xf32, #tpu.memory_space<hbm>>)
        tpu.yield
      }) : () -> ()
      "tpu.region"() ({
        %run_scoped3A = tpu.sem_alloc : memref<!tpu.dma_semaphore, #tpu.memory_space<semaphore_mem>>
        %dma_start3A = arith.constant 0 : i32
        %dma_start3A_4 = tpu.memref_slice %arg2[%dma_start3A] : memref<128xf32, #tpu.memory_space<hbm>> -> memref<64xf32, #tpu.memory_space<hbm>>
        %dma_start3A_5 = arith.constant 0 : i32
        %dma_start3A_6 = tpu.memref_slice %arg2[%dma_start3A_5] : memref<128xf32, #tpu.memory_space<hbm>> -> memref<64xf32, #tpu.memory_space<hbm>>
        tpu.enqueue_dma source(%dma_start3A_6 : memref<64xf32, #tpu.memory_space<hbm>>) target(%arg5 : memref<64xf32, #tpu.memory_space<vmem>>) target_semaphore(%run_scoped3A : memref<!tpu.dma_semaphore, #tpu.memory_space<semaphore_mem>>)
        %dma_wait3A = arith.constant 0 : i32
        %dma_wait3A_7 = tpu.memref_slice %arg2[%dma_wait3A] : memref<128xf32, #tpu.memory_space<hbm>> -> memref<64xf32, #tpu.memory_space<hbm>>
        %dma_wait3A_8 = arith.constant 0 : i32
        %dma_wait3A_9 = tpu.memref_slice %arg2[%dma_wait3A_8] : memref<128xf32, #tpu.memory_space<hbm>> -> memref<64xf32, #tpu.memory_space<hbm>>
        tpu.wait_dma2 semaphore(%run_scoped3A : memref<!tpu.dma_semaphore, #tpu.memory_space<semaphore_mem>>) src(%dma_wait3A_9 : memref<64xf32, #tpu.memory_space<hbm>>) dst(%arg5 : memref<64xf32, #tpu.memory_space<vmem>>)
        tpu.yield
      }) : () -> ()
      "tpu.region"() ({
        %run_scoped3A = tpu.sem_alloc : memref<!tpu.dma_semaphore, #tpu.memory_space<semaphore_mem>>
        %dma_start3A = arith.constant 512 : i32
        %dma_start3A_4 = tpu.memref_slice %arg4[%dma_start3A] : memref<1152xf32, #tpu.memory_space<hbm>> -> memref<64xf32, #tpu.memory_space<hbm>>
        %dma_start3A_5 = arith.constant 512 : i32
        %dma_start3A_6 = tpu.memref_slice %arg4[%dma_start3A_5] : memref<1152xf32, #tpu.memory_space<hbm>> -> memref<64xf32, #tpu.memory_space<hbm>>
        tpu.enqueue_dma source(%arg5 : memref<64xf32, #tpu.memory_space<vmem>>) target(%dma_start3A_6 : memref<64xf32, #tpu.memory_space<hbm>>) target_semaphore(%run_scoped3A : memref<!tpu.dma_semaphore, #tpu.memory_space<semaphore_mem>>)
        %dma_wait3A = arith.constant 512 : i32
        %dma_wait3A_7 = tpu.memref_slice %arg4[%dma_wait3A] : memref<1152xf32, #tpu.memory_space<hbm>> -> memref<64xf32, #tpu.memory_space<hbm>>
        %dma_wait3A_8 = arith.constant 512 : i32
        %dma_wait3A_9 = tpu.memref_slice %arg4[%dma_wait3A_8] : memref<1152xf32, #tpu.memory_space<hbm>> -> memref<64xf32, #tpu.memory_space<hbm>>
        tpu.wait_dma2 semaphore(%run_scoped3A : memref<!tpu.dma_semaphore, #tpu.memory_space<semaphore_mem>>) src(%arg5 : memref<64xf32, #tpu.memory_space<vmem>>) dst(%dma_wait3A_9 : memref<64xf32, #tpu.memory_space<hbm>>)
        tpu.yield
      }) : () -> ()
      "tpu.region"() ({
        %run_scoped3A = tpu.sem_alloc : memref<!tpu.dma_semaphore, #tpu.memory_space<semaphore_mem>>
        %dma_start3A = arith.constant 128 : i32
        %dma_start3A_4 = tpu.memref_slice %arg3[%dma_start3A] : memref<320xf32, #tpu.memory_space<hbm>> -> memref<64xf32, #tpu.memory_space<hbm>>
        %dma_start3A_5 = arith.constant 128 : i32
        %dma_start3A_6 = tpu.memref_slice %arg3[%dma_start3A_5] : memref<320xf32, #tpu.memory_space<hbm>> -> memref<64xf32, #tpu.memory_space<hbm>>
        tpu.enqueue_dma source(%dma_start3A_6 : memref<64xf32, #tpu.memory_space<hbm>>) target(%arg5 : memref<64xf32, #tpu.memory_space<vmem>>) target_semaphore(%run_scoped3A : memref<!tpu.dma_semaphore, #tpu.memory_space<semaphore_mem>>)
        %dma_wait3A = arith.constant 128 : i32
        %dma_wait3A_7 = tpu.memref_slice %arg3[%dma_wait3A] : memref<320xf32, #tpu.memory_space<hbm>> -> memref<64xf32, #tpu.memory_space<hbm>>
        %dma_wait3A_8 = arith.constant 128 : i32
        %dma_wait3A_9 = tpu.memref_slice %arg3[%dma_wait3A_8] : memref<320xf32, #tpu.memory_space<hbm>> -> memref<64xf32, #tpu.memory_space<hbm>>
        tpu.wait_dma2 semaphore(%run_scoped3A : memref<!tpu.dma_semaphore, #tpu.memory_space<semaphore_mem>>) src(%dma_wait3A_9 : memref<64xf32, #tpu.memory_space<hbm>>) dst(%arg5 : memref<64xf32, #tpu.memory_space<vmem>>)
        tpu.yield
      }) : () -> ()
      "tpu.region"() ({
        %run_scoped3A = tpu.sem_alloc : memref<!tpu.dma_semaphore, #tpu.memory_space<semaphore_mem>>
        %dma_start3A = arith.constant 576 : i32
        %dma_start3A_4 = tpu.memref_slice %arg4[%dma_start3A] : memref<1152xf32, #tpu.memory_space<hbm>> -> memref<64xf32, #tpu.memory_space<hbm>>
        %dma_start3A_5 = arith.constant 576 : i32
        %dma_start3A_6 = tpu.memref_slice %arg4[%dma_start3A_5] : memref<1152xf32, #tpu.memory_space<hbm>> -> memref<64xf32, #tpu.memory_space<hbm>>
        tpu.enqueue_dma source(%arg5 : memref<64xf32, #tpu.memory_space<vmem>>) target(%dma_start3A_6 : memref<64xf32, #tpu.memory_space<hbm>>) target_semaphore(%run_scoped3A : memref<!tpu.dma_semaphore, #tpu.memory_space<semaphore_mem>>)
        %dma_wait3A = arith.constant 576 : i32
        %dma_wait3A_7 = tpu.memref_slice %arg4[%dma_wait3A] : memref<1152xf32, #tpu.memory_space<hbm>> -> memref<64xf32, #tpu.memory_space<hbm>>
        %dma_wait3A_8 = arith.constant 576 : i32
        %dma_wait3A_9 = tpu.memref_slice %arg4[%dma_wait3A_8] : memref<1152xf32, #tpu.memory_space<hbm>> -> memref<64xf32, #tpu.memory_space<hbm>>
        tpu.wait_dma2 semaphore(%run_scoped3A : memref<!tpu.dma_semaphore, #tpu.memory_space<semaphore_mem>>) src(%arg5 : memref<64xf32, #tpu.memory_space<vmem>>) dst(%dma_wait3A_9 : memref<64xf32, #tpu.memory_space<hbm>>)
        tpu.yield
      }) : () -> ()
      "tpu.region"() ({
        %run_scoped3A = tpu.sem_alloc : memref<!tpu.dma_semaphore, #tpu.memory_space<semaphore_mem>>
        %dma_start3A = arith.constant 64 : i32
        %dma_start3A_4 = tpu.memref_slice %arg2[%dma_start3A] : memref<128xf32, #tpu.memory_space<hbm>> -> memref<64xf32, #tpu.memory_space<hbm>>
        %dma_start3A_5 = arith.constant 64 : i32
        %dma_start3A_6 = tpu.memref_slice %arg2[%dma_start3A_5] : memref<128xf32, #tpu.memory_space<hbm>> -> memref<64xf32, #tpu.memory_space<hbm>>
        tpu.enqueue_dma source(%dma_start3A_6 : memref<64xf32, #tpu.memory_space<hbm>>) target(%arg5 : memref<64xf32, #tpu.memory_space<vmem>>) target_semaphore(%run_scoped3A : memref<!tpu.dma_semaphore, #tpu.memory_space<semaphore_mem>>)
        %dma_wait3A = arith.constant 64 : i32
        %dma_wait3A_7 = tpu.memref_slice %arg2[%dma_wait3A] : memref<128xf32, #tpu.memory_space<hbm>> -> memref<64xf32, #tpu.memory_space<hbm>>
        %dma_wait3A_8 = arith.constant 64 : i32
        %dma_wait3A_9 = tpu.memref_slice %arg2[%dma_wait3A_8] : memref<128xf32, #tpu.memory_space<hbm>> -> memref<64xf32, #tpu.memory_space<hbm>>
        tpu.wait_dma2 semaphore(%run_scoped3A : memref<!tpu.dma_semaphore, #tpu.memory_space<semaphore_mem>>) src(%dma_wait3A_9 : memref<64xf32, #tpu.memory_space<hbm>>) dst(%arg5 : memref<64xf32, #tpu.memory_space<vmem>>)
        tpu.yield
      }) : () -> ()
      "tpu.region"() ({
        %run_scoped3A = tpu.sem_alloc : memref<!tpu.dma_semaphore, #tpu.memory_space<semaphore_mem>>
        %dma_start3A = arith.constant 640 : i32
        %dma_start3A_4 = tpu.memref_slice %arg4[%dma_start3A] : memref<1152xf32, #tpu.memory_space<hbm>> -> memref<64xf32, #tpu.memory_space<hbm>>
        %dma_start3A_5 = arith.constant 640 : i32
        %dma_start3A_6 = tpu.memref_slice %arg4[%dma_start3A_5] : memref<1152xf32, #tpu.memory_space<hbm>> -> memref<64xf32, #tpu.memory_space<hbm>>
        tpu.enqueue_dma source(%arg5 : memref<64xf32, #tpu.memory_space<vmem>>) target(%dma_start3A_6 : memref<64xf32, #tpu.memory_space<hbm>>) target_semaphore(%run_scoped3A : memref<!tpu.dma_semaphore, #tpu.memory_space<semaphore_mem>>)
        %dma_wait3A = arith.constant 640 : i32
        %dma_wait3A_7 = tpu.memref_slice %arg4[%dma_wait3A] : memref<1152xf32, #tpu.memory_space<hbm>> -> memref<64xf32, #tpu.memory_space<hbm>>
        %dma_wait3A_8 = arith.constant 640 : i32
        %dma_wait3A_9 = tpu.memref_slice %arg4[%dma_wait3A_8] : memref<1152xf32, #tpu.memory_space<hbm>> -> memref<64xf32, #tpu.memory_space<hbm>>
        tpu.wait_dma2 semaphore(%run_scoped3A : memref<!tpu.dma_semaphore, #tpu.memory_space<semaphore_mem>>) src(%arg5 : memref<64xf32, #tpu.memory_space<vmem>>) dst(%dma_wait3A_9 : memref<64xf32, #tpu.memory_space<hbm>>)
        tpu.yield
      }) : () -> ()
      "tpu.region"() ({
        %run_scoped3A = tpu.sem_alloc : memref<!tpu.dma_semaphore, #tpu.memory_space<semaphore_mem>>
        %dma_start3A = arith.constant 128 : i32
        %dma_start3A_4 = tpu.memref_slice %arg3[%dma_start3A] : memref<320xf32, #tpu.memory_space<hbm>> -> memref<64xf32, #tpu.memory_space<hbm>>
        %dma_start3A_5 = arith.constant 128 : i32
        %dma_start3A_6 = tpu.memref_slice %arg3[%dma_start3A_5] : memref<320xf32, #tpu.memory_space<hbm>> -> memref<64xf32, #tpu.memory_space<hbm>>
        tpu.enqueue_dma source(%dma_start3A_6 : memref<64xf32, #tpu.memory_space<hbm>>) target(%arg5 : memref<64xf32, #tpu.memory_space<vmem>>) target_semaphore(%run_scoped3A : memref<!tpu.dma_semaphore, #tpu.memory_space<semaphore_mem>>)
        %dma_wait3A = arith.constant 128 : i32
        %dma_wait3A_7 = tpu.memref_slice %arg3[%dma_wait3A] : memref<320xf32, #tpu.memory_space<hbm>> -> memref<64xf32, #tpu.memory_space<hbm>>
        %dma_wait3A_8 = arith.constant 128 : i32
        %dma_wait3A_9 = tpu.memref_slice %arg3[%dma_wait3A_8] : memref<320xf32, #tpu.memory_space<hbm>> -> memref<64xf32, #tpu.memory_space<hbm>>
        tpu.wait_dma2 semaphore(%run_scoped3A : memref<!tpu.dma_semaphore, #tpu.memory_space<semaphore_mem>>) src(%dma_wait3A_9 : memref<64xf32, #tpu.memory_space<hbm>>) dst(%arg5 : memref<64xf32, #tpu.memory_space<vmem>>)
        tpu.yield
      }) : () -> ()
      "tpu.region"() ({
        %run_scoped3A = tpu.sem_alloc : memref<!tpu.dma_semaphore, #tpu.memory_space<semaphore_mem>>
        %dma_start3A = arith.constant 704 : i32
        %dma_start3A_4 = tpu.memref_slice %arg4[%dma_start3A] : memref<1152xf32, #tpu.memory_space<hbm>> -> memref<64xf32, #tpu.memory_space<hbm>>
        %dma_start3A_5 = arith.constant 704 : i32
        %dma_start3A_6 = tpu.memref_slice %arg4[%dma_start3A_5] : memref<1152xf32, #tpu.memory_space<hbm>> -> memref<64xf32, #tpu.memory_space<hbm>>
        tpu.enqueue_dma source(%arg5 : memref<64xf32, #tpu.memory_space<vmem>>) target(%dma_start3A_6 : memref<64xf32, #tpu.memory_space<hbm>>) target_semaphore(%run_scoped3A : memref<!tpu.dma_semaphore, #tpu.memory_space<semaphore_mem>>)
        %dma_wait3A = arith.constant 704 : i32
        %dma_wait3A_7 = tpu.memref_slice %arg4[%dma_wait3A] : memref<1152xf32, #tpu.memory_space<hbm>> -> memref<64xf32, #tpu.memory_space<hbm>>
        %dma_wait3A_8 = arith.constant 704 : i32
        %dma_wait3A_9 = tpu.memref_slice %arg4[%dma_wait3A_8] : memref<1152xf32, #tpu.memory_space<hbm>> -> memref<64xf32, #tpu.memory_space<hbm>>
        tpu.wait_dma2 semaphore(%run_scoped3A : memref<!tpu.dma_semaphore, #tpu.memory_space<semaphore_mem>>) src(%arg5 : memref<64xf32, #tpu.memory_space<vmem>>) dst(%dma_wait3A_9 : memref<64xf32, #tpu.memory_space<hbm>>)
        tpu.yield
      }) : () -> ()
      "tpu.region"() ({
        %run_scoped3A = tpu.sem_alloc : memref<!tpu.dma_semaphore, #tpu.memory_space<semaphore_mem>>
        %dma_start3A = arith.constant 0 : i32
        %dma_start3A_4 = tpu.memref_slice %arg2[%dma_start3A] : memref<128xf32, #tpu.memory_space<hbm>> -> memref<64xf32, #tpu.memory_space<hbm>>
        %dma_start3A_5 = arith.constant 0 : i32
        %dma_start3A_6 = tpu.memref_slice %arg2[%dma_start3A_5] : memref<128xf32, #tpu.memory_space<hbm>> -> memref<64xf32, #tpu.memory_space<hbm>>
        tpu.enqueue_dma source(%dma_start3A_6 : memref<64xf32, #tpu.memory_space<hbm>>) target(%arg5 : memref<64xf32, #tpu.memory_space<vmem>>) target_semaphore(%run_scoped3A : memref<!tpu.dma_semaphore, #tpu.memory_space<semaphore_mem>>)
        %dma_wait3A = arith.constant 0 : i32
        %dma_wait3A_7 = tpu.memref_slice %arg2[%dma_wait3A] : memref<128xf32, #tpu.memory_space<hbm>> -> memref<64xf32, #tpu.memory_space<hbm>>
        %dma_wait3A_8 = arith.constant 0 : i32
        %dma_wait3A_9 = tpu.memref_slice %arg2[%dma_wait3A_8] : memref<128xf32, #tpu.memory_space<hbm>> -> memref<64xf32, #tpu.memory_space<hbm>>
        tpu.wait_dma2 semaphore(%run_scoped3A : memref<!tpu.dma_semaphore, #tpu.memory_space<semaphore_mem>>) src(%dma_wait3A_9 : memref<64xf32, #tpu.memory_space<hbm>>) dst(%arg5 : memref<64xf32, #tpu.memory_space<vmem>>)
        tpu.yield
      }) : () -> ()
      "tpu.region"() ({
        %run_scoped3A = tpu.sem_alloc : memref<!tpu.dma_semaphore, #tpu.memory_space<semaphore_mem>>
        %dma_start3A = arith.constant 768 : i32
        %dma_start3A_4 = tpu.memref_slice %arg4[%dma_start3A] : memref<1152xf32, #tpu.memory_space<hbm>> -> memref<64xf32, #tpu.memory_space<hbm>>
        %dma_start3A_5 = arith.constant 768 : i32
        %dma_start3A_6 = tpu.memref_slice %arg4[%dma_start3A_5] : memref<1152xf32, #tpu.memory_space<hbm>> -> memref<64xf32, #tpu.memory_space<hbm>>
        tpu.enqueue_dma source(%arg5 : memref<64xf32, #tpu.memory_space<vmem>>) target(%dma_start3A_6 : memref<64xf32, #tpu.memory_space<hbm>>) target_semaphore(%run_scoped3A : memref<!tpu.dma_semaphore, #tpu.memory_space<semaphore_mem>>)
        %dma_wait3A = arith.constant 768 : i32
        %dma_wait3A_7 = tpu.memref_slice %arg4[%dma_wait3A] : memref<1152xf32, #tpu.memory_space<hbm>> -> memref<64xf32, #tpu.memory_space<hbm>>
        %dma_wait3A_8 = arith.constant 768 : i32
        %dma_wait3A_9 = tpu.memref_slice %arg4[%dma_wait3A_8] : memref<1152xf32, #tpu.memory_space<hbm>> -> memref<64xf32, #tpu.memory_space<hbm>>
        tpu.wait_dma2 semaphore(%run_scoped3A : memref<!tpu.dma_semaphore, #tpu.memory_space<semaphore_mem>>) src(%arg5 : memref<64xf32, #tpu.memory_space<vmem>>) dst(%dma_wait3A_9 : memref<64xf32, #tpu.memory_space<hbm>>)
        tpu.yield
      }) : () -> ()
      "tpu.region"() ({
        %run_scoped3A = tpu.sem_alloc : memref<!tpu.dma_semaphore, #tpu.memory_space<semaphore_mem>>
        %dma_start3A = arith.constant 192 : i32
        %dma_start3A_4 = tpu.memref_slice %arg3[%dma_start3A] : memref<320xf32, #tpu.memory_space<hbm>> -> memref<64xf32, #tpu.memory_space<hbm>>
        %dma_start3A_5 = arith.constant 192 : i32
        %dma_start3A_6 = tpu.memref_slice %arg3[%dma_start3A_5] : memref<320xf32, #tpu.memory_space<hbm>> -> memref<64xf32, #tpu.memory_space<hbm>>
        tpu.enqueue_dma source(%dma_start3A_6 : memref<64xf32, #tpu.memory_space<hbm>>) target(%arg5 : memref<64xf32, #tpu.memory_space<vmem>>) target_semaphore(%run_scoped3A : memref<!tpu.dma_semaphore, #tpu.memory_space<semaphore_mem>>)
        %dma_wait3A = arith.constant 192 : i32
        %dma_wait3A_7 = tpu.memref_slice %arg3[%dma_wait3A] : memref<320xf32, #tpu.memory_space<hbm>> -> memref<64xf32, #tpu.memory_space<hbm>>
        %dma_wait3A_8 = arith.constant 192 : i32
        %dma_wait3A_9 = tpu.memref_slice %arg3[%dma_wait3A_8] : memref<320xf32, #tpu.memory_space<hbm>> -> memref<64xf32, #tpu.memory_space<hbm>>
        tpu.wait_dma2 semaphore(%run_scoped3A : memref<!tpu.dma_semaphore, #tpu.memory_space<semaphore_mem>>) src(%dma_wait3A_9 : memref<64xf32, #tpu.memory_space<hbm>>) dst(%arg5 : memref<64xf32, #tpu.memory_space<vmem>>)
        tpu.yield
      }) : () -> ()
      "tpu.region"() ({
        %run_scoped3A = tpu.sem_alloc : memref<!tpu.dma_semaphore, #tpu.memory_space<semaphore_mem>>
        %dma_start3A = arith.constant 832 : i32
        %dma_start3A_4 = tpu.memref_slice %arg4[%dma_start3A] : memref<1152xf32, #tpu.memory_space<hbm>> -> memref<64xf32, #tpu.memory_space<hbm>>
        %dma_start3A_5 = arith.constant 832 : i32
        %dma_start3A_6 = tpu.memref_slice %arg4[%dma_start3A_5] : memref<1152xf32, #tpu.memory_space<hbm>> -> memref<64xf32, #tpu.memory_space<hbm>>
        tpu.enqueue_dma source(%arg5 : memref<64xf32, #tpu.memory_space<vmem>>) target(%dma_start3A_6 : memref<64xf32, #tpu.memory_space<hbm>>) target_semaphore(%run_scoped3A : memref<!tpu.dma_semaphore, #tpu.memory_space<semaphore_mem>>)
        %dma_wait3A = arith.constant 832 : i32
        %dma_wait3A_7 = tpu.memref_slice %arg4[%dma_wait3A] : memref<1152xf32, #tpu.memory_space<hbm>> -> memref<64xf32, #tpu.memory_space<hbm>>
        %dma_wait3A_8 = arith.constant 832 : i32
        %dma_wait3A_9 = tpu.memref_slice %arg4[%dma_wait3A_8] : memref<1152xf32, #tpu.memory_space<hbm>> -> memref<64xf32, #tpu.memory_space<hbm>>
        tpu.wait_dma2 semaphore(%run_scoped3A : memref<!tpu.dma_semaphore, #tpu.memory_space<semaphore_mem>>) src(%arg5 : memref<64xf32, #tpu.memory_space<vmem>>) dst(%dma_wait3A_9 : memref<64xf32, #tpu.memory_space<hbm>>)
        tpu.yield
      }) : () -> ()
      "tpu.region"() ({
        %run_scoped3A = tpu.sem_alloc : memref<!tpu.dma_semaphore, #tpu.memory_space<semaphore_mem>>
        %dma_start3A = arith.constant 64 : i32
        %dma_start3A_4 = tpu.memref_slice %arg2[%dma_start3A] : memref<128xf32, #tpu.memory_space<hbm>> -> memref<64xf32, #tpu.memory_space<hbm>>
        %dma_start3A_5 = arith.constant 64 : i32
        %dma_start3A_6 = tpu.memref_slice %arg2[%dma_start3A_5] : memref<128xf32, #tpu.memory_space<hbm>> -> memref<64xf32, #tpu.memory_space<hbm>>
        tpu.enqueue_dma source(%dma_start3A_6 : memref<64xf32, #tpu.memory_space<hbm>>) target(%arg5 : memref<64xf32, #tpu.memory_space<vmem>>) target_semaphore(%run_scoped3A : memref<!tpu.dma_semaphore, #tpu.memory_space<semaphore_mem>>)
        %dma_wait3A = arith.constant 64 : i32
        %dma_wait3A_7 = tpu.memref_slice %arg2[%dma_wait3A] : memref<128xf32, #tpu.memory_space<hbm>> -> memref<64xf32, #tpu.memory_space<hbm>>
        %dma_wait3A_8 = arith.constant 64 : i32
        %dma_wait3A_9 = tpu.memref_slice %arg2[%dma_wait3A_8] : memref<128xf32, #tpu.memory_space<hbm>> -> memref<64xf32, #tpu.memory_space<hbm>>
        tpu.wait_dma2 semaphore(%run_scoped3A : memref<!tpu.dma_semaphore, #tpu.memory_space<semaphore_mem>>) src(%dma_wait3A_9 : memref<64xf32, #tpu.memory_space<hbm>>) dst(%arg5 : memref<64xf32, #tpu.memory_space<vmem>>)
        tpu.yield
      }) : () -> ()
      "tpu.region"() ({
        %run_scoped3A = tpu.sem_alloc : memref<!tpu.dma_semaphore, #tpu.memory_space<semaphore_mem>>
        %dma_start3A = arith.constant 896 : i32
        %dma_start3A_4 = tpu.memref_slice %arg4[%dma_start3A] : memref<1152xf32, #tpu.memory_space<hbm>> -> memref<64xf32, #tpu.memory_space<hbm>>
        %dma_start3A_5 = arith.constant 896 : i32
        %dma_start3A_6 = tpu.memref_slice %arg4[%dma_start3A_5] : memref<1152xf32, #tpu.memory_space<hbm>> -> memref<64xf32, #tpu.memory_space<hbm>>
        tpu.enqueue_dma source(%arg5 : memref<64xf32, #tpu.memory_space<vmem>>) target(%dma_start3A_6 : memref<64xf32, #tpu.memory_space<hbm>>) target_semaphore(%run_scoped3A : memref<!tpu.dma_semaphore, #tpu.memory_space<semaphore_mem>>)
        %dma_wait3A = arith.constant 896 : i32
        %dma_wait3A_7 = tpu.memref_slice %arg4[%dma_wait3A] : memref<1152xf32, #tpu.memory_space<hbm>> -> memref<64xf32, #tpu.memory_space<hbm>>
        %dma_wait3A_8 = arith.constant 896 : i32
        %dma_wait3A_9 = tpu.memref_slice %arg4[%dma_wait3A_8] : memref<1152xf32, #tpu.memory_space<hbm>> -> memref<64xf32, #tpu.memory_space<hbm>>
        tpu.wait_dma2 semaphore(%run_scoped3A : memref<!tpu.dma_semaphore, #tpu.memory_space<semaphore_mem>>) src(%arg5 : memref<64xf32, #tpu.memory_space<vmem>>) dst(%dma_wait3A_9 : memref<64xf32, #tpu.memory_space<hbm>>)
        tpu.yield
      }) : () -> ()
      "tpu.region"() ({
        %run_scoped3A = tpu.sem_alloc : memref<!tpu.dma_semaphore, #tpu.memory_space<semaphore_mem>>
        %dma_start3A = arith.constant 192 : i32
        %dma_start3A_4 = tpu.memref_slice %arg3[%dma_start3A] : memref<320xf32, #tpu.memory_space<hbm>> -> memref<64xf32, #tpu.memory_space<hbm>>
        %dma_start3A_5 = arith.constant 192 : i32
        %dma_start3A_6 = tpu.memref_slice %arg3[%dma_start3A_5] : memref<320xf32, #tpu.memory_space<hbm>> -> memref<64xf32, #tpu.memory_space<hbm>>
        tpu.enqueue_dma source(%dma_start3A_6 : memref<64xf32, #tpu.memory_space<hbm>>) target(%arg5 : memref<64xf32, #tpu.memory_space<vmem>>) target_semaphore(%run_scoped3A : memref<!tpu.dma_semaphore, #tpu.memory_space<semaphore_mem>>)
        %dma_wait3A = arith.constant 192 : i32
        %dma_wait3A_7 = tpu.memref_slice %arg3[%dma_wait3A] : memref<320xf32, #tpu.memory_space<hbm>> -> memref<64xf32, #tpu.memory_space<hbm>>
        %dma_wait3A_8 = arith.constant 192 : i32
        %dma_wait3A_9 = tpu.memref_slice %arg3[%dma_wait3A_8] : memref<320xf32, #tpu.memory_space<hbm>> -> memref<64xf32, #tpu.memory_space<hbm>>
        tpu.wait_dma2 semaphore(%run_scoped3A : memref<!tpu.dma_semaphore, #tpu.memory_space<semaphore_mem>>) src(%dma_wait3A_9 : memref<64xf32, #tpu.memory_space<hbm>>) dst(%arg5 : memref<64xf32, #tpu.memory_space<vmem>>)
        tpu.yield
      }) : () -> ()
      "tpu.region"() ({
        %run_scoped3A = tpu.sem_alloc : memref<!tpu.dma_semaphore, #tpu.memory_space<semaphore_mem>>
        %dma_start3A = arith.constant 960 : i32
        %dma_start3A_4 = tpu.memref_slice %arg4[%dma_start3A] : memref<1152xf32, #tpu.memory_space<hbm>> -> memref<64xf32, #tpu.memory_space<hbm>>
        %dma_start3A_5 = arith.constant 960 : i32
        %dma_start3A_6 = tpu.memref_slice %arg4[%dma_start3A_5] : memref<1152xf32, #tpu.memory_space<hbm>> -> memref<64xf32, #tpu.memory_space<hbm>>
        tpu.enqueue_dma source(%arg5 : memref<64xf32, #tpu.memory_space<vmem>>) target(%dma_start3A_6 : memref<64xf32, #tpu.memory_space<hbm>>) target_semaphore(%run_scoped3A : memref<!tpu.dma_semaphore, #tpu.memory_space<semaphore_mem>>)
        %dma_wait3A = arith.constant 960 : i32
        %dma_wait3A_7 = tpu.memref_slice %arg4[%dma_wait3A] : memref<1152xf32, #tpu.memory_space<hbm>> -> memref<64xf32, #tpu.memory_space<hbm>>
        %dma_wait3A_8 = arith.constant 960 : i32
        %dma_wait3A_9 = tpu.memref_slice %arg4[%dma_wait3A_8] : memref<1152xf32, #tpu.memory_space<hbm>> -> memref<64xf32, #tpu.memory_space<hbm>>
        tpu.wait_dma2 semaphore(%run_scoped3A : memref<!tpu.dma_semaphore, #tpu.memory_space<semaphore_mem>>) src(%arg5 : memref<64xf32, #tpu.memory_space<vmem>>) dst(%dma_wait3A_9 : memref<64xf32, #tpu.memory_space<hbm>>)
        tpu.yield
      }) : () -> ()
      "tpu.region"() ({
        %run_scoped3A = tpu.sem_alloc : memref<!tpu.dma_semaphore, #tpu.memory_space<semaphore_mem>>
        %dma_start3A = arith.constant 0 : i32
        %dma_start3A_4 = tpu.memref_slice %arg2[%dma_start3A] : memref<128xf32, #tpu.memory_space<hbm>> -> memref<64xf32, #tpu.memory_space<hbm>>
        %dma_start3A_5 = arith.constant 0 : i32
        %dma_start3A_6 = tpu.memref_slice %arg2[%dma_start3A_5] : memref<128xf32, #tpu.memory_space<hbm>> -> memref<64xf32, #tpu.memory_space<hbm>>
        tpu.enqueue_dma source(%dma_start3A_6 : memref<64xf32, #tpu.memory_space<hbm>>) target(%arg5 : memref<64xf32, #tpu.memory_space<vmem>>) target_semaphore(%run_scoped3A : memref<!tpu.dma_semaphore, #tpu.memory_space<semaphore_mem>>)
        %dma_wait3A = arith.constant 0 : i32
        %dma_wait3A_7 = tpu.memref_slice %arg2[%dma_wait3A] : memref<128xf32, #tpu.memory_space<hbm>> -> memref<64xf32, #tpu.memory_space<hbm>>
        %dma_wait3A_8 = arith.constant 0 : i32
        %dma_wait3A_9 = tpu.memref_slice %arg2[%dma_wait3A_8] : memref<128xf32, #tpu.memory_space<hbm>> -> memref<64xf32, #tpu.memory_space<hbm>>
        tpu.wait_dma2 semaphore(%run_scoped3A : memref<!tpu.dma_semaphore, #tpu.memory_space<semaphore_mem>>) src(%dma_wait3A_9 : memref<64xf32, #tpu.memory_space<hbm>>) dst(%arg5 : memref<64xf32, #tpu.memory_space<vmem>>)
        tpu.yield
      }) : () -> ()
      "tpu.region"() ({
        %run_scoped3A = tpu.sem_alloc : memref<!tpu.dma_semaphore, #tpu.memory_space<semaphore_mem>>
        %dma_start3A = arith.constant 1024 : i32
        %dma_start3A_4 = tpu.memref_slice %arg4[%dma_start3A] : memref<1152xf32, #tpu.memory_space<hbm>> -> memref<64xf32, #tpu.memory_space<hbm>>
        %dma_start3A_5 = arith.constant 1024 : i32
        %dma_start3A_6 = tpu.memref_slice %arg4[%dma_start3A_5] : memref<1152xf32, #tpu.memory_space<hbm>> -> memref<64xf32, #tpu.memory_space<hbm>>
        tpu.enqueue_dma source(%arg5 : memref<64xf32, #tpu.memory_space<vmem>>) target(%dma_start3A_6 : memref<64xf32, #tpu.memory_space<hbm>>) target_semaphore(%run_scoped3A : memref<!tpu.dma_semaphore, #tpu.memory_space<semaphore_mem>>)
        %dma_wait3A = arith.constant 1024 : i32
        %dma_wait3A_7 = tpu.memref_slice %arg4[%dma_wait3A] : memref<1152xf32, #tpu.memory_space<hbm>> -> memref<64xf32, #tpu.memory_space<hbm>>
        %dma_wait3A_8 = arith.constant 1024 : i32
        %dma_wait3A_9 = tpu.memref_slice %arg4[%dma_wait3A_8] : memref<1152xf32, #tpu.memory_space<hbm>> -> memref<64xf32, #tpu.memory_space<hbm>>
        tpu.wait_dma2 semaphore(%run_scoped3A : memref<!tpu.dma_semaphore, #tpu.memory_space<semaphore_mem>>) src(%arg5 : memref<64xf32, #tpu.memory_space<vmem>>) dst(%dma_wait3A_9 : memref<64xf32, #tpu.memory_space<hbm>>)
        tpu.yield
      }) : () -> ()
      "tpu.region"() ({
        %run_scoped3A = tpu.sem_alloc : memref<!tpu.dma_semaphore, #tpu.memory_space<semaphore_mem>>
        %dma_start3A = arith.constant 256 : i32
        %dma_start3A_4 = tpu.memref_slice %arg3[%dma_start3A] : memref<320xf32, #tpu.memory_space<hbm>> -> memref<64xf32, #tpu.memory_space<hbm>>
        %dma_start3A_5 = arith.constant 256 : i32
        %dma_start3A_6 = tpu.memref_slice %arg3[%dma_start3A_5] : memref<320xf32, #tpu.memory_space<hbm>> -> memref<64xf32, #tpu.memory_space<hbm>>
        tpu.enqueue_dma source(%dma_start3A_6 : memref<64xf32, #tpu.memory_space<hbm>>) target(%arg5 : memref<64xf32, #tpu.memory_space<vmem>>) target_semaphore(%run_scoped3A : memref<!tpu.dma_semaphore, #tpu.memory_space<semaphore_mem>>)
        %dma_wait3A = arith.constant 256 : i32
        %dma_wait3A_7 = tpu.memref_slice %arg3[%dma_wait3A] : memref<320xf32, #tpu.memory_space<hbm>> -> memref<64xf32, #tpu.memory_space<hbm>>
        %dma_wait3A_8 = arith.constant 256 : i32
        %dma_wait3A_9 = tpu.memref_slice %arg3[%dma_wait3A_8] : memref<320xf32, #tpu.memory_space<hbm>> -> memref<64xf32, #tpu.memory_space<hbm>>
        tpu.wait_dma2 semaphore(%run_scoped3A : memref<!tpu.dma_semaphore, #tpu.memory_space<semaphore_mem>>) src(%dma_wait3A_9 : memref<64xf32, #tpu.memory_space<hbm>>) dst(%arg5 : memref<64xf32, #tpu.memory_space<vmem>>)
        tpu.yield
      }) : () -> ()
      "tpu.region"() ({
        %run_scoped3A = tpu.sem_alloc : memref<!tpu.dma_semaphore, #tpu.memory_space<semaphore_mem>>
        %dma_start3A = arith.constant 1088 : i32
        %dma_start3A_4 = tpu.memref_slice %arg4[%dma_start3A] : memref<1152xf32, #tpu.memory_space<hbm>> -> memref<64xf32, #tpu.memory_space<hbm>>
        %dma_start3A_5 = arith.constant 1088 : i32
        %dma_start3A_6 = tpu.memref_slice %arg4[%dma_start3A_5] : memref<1152xf32, #tpu.memory_space<hbm>> -> memref<64xf32, #tpu.memory_space<hbm>>
        tpu.enqueue_dma source(%arg5 : memref<64xf32, #tpu.memory_space<vmem>>) target(%dma_start3A_6 : memref<64xf32, #tpu.memory_space<hbm>>) target_semaphore(%run_scoped3A : memref<!tpu.dma_semaphore, #tpu.memory_space<semaphore_mem>>)
        %dma_wait3A = arith.constant 1088 : i32
        %dma_wait3A_7 = tpu.memref_slice %arg4[%dma_wait3A] : memref<1152xf32, #tpu.memory_space<hbm>> -> memref<64xf32, #tpu.memory_space<hbm>>
        %dma_wait3A_8 = arith.constant 1088 : i32
        %dma_wait3A_9 = tpu.memref_slice %arg4[%dma_wait3A_8] : memref<1152xf32, #tpu.memory_space<hbm>> -> memref<64xf32, #tpu.memory_space<hbm>>
        tpu.wait_dma2 semaphore(%run_scoped3A : memref<!tpu.dma_semaphore, #tpu.memory_space<semaphore_mem>>) src(%arg5 : memref<64xf32, #tpu.memory_space<vmem>>) dst(%dma_wait3A_9 : memref<64xf32, #tpu.memory_space<hbm>>)
        tpu.yield
      }) : () -> ()
    } else {
    }
    return
  }
}

module attributes {stable_mosaic.version = 14 : i64} {
  func.func @_tc_body(%arg0: i32, %arg1: memref<1x9x30x30x384xf32, #tpu.memory_space<vmem>>, %arg2: memref<9x128xf32, #tpu.memory_space<vmem>>, %arg3: memref<1x9x30x30x384xf32, #tpu.memory_space<vmem>>, %arg4: memref<9x30x30x384xf32, #tpu.memory_space<vmem>>) attributes {dimension_semantics = [#tpu.dimension_semantics<arbitrary>], iteration_bounds = array<i64: 32>, scalar_prefetch = 0 : i64, scratch_operands = 1 : i64, tpu.core_type = #tpu.core_type<tc>, window_params = [{transform_indices = @transform_0, window_bounds = array<i64: 1, 9, 30, 30, 384>}, {pipeline_mode = #tpu.pipeline_mode<synchronous>, transform_indices = @transform_1, window_bounds = array<i64: 9, 128>}, {transform_indices = @transform_2, window_bounds = array<i64: 1, 9, 30, 30, 384>}]} {
    %eq3A = arith.constant 0 : i32
    %eq3A_0 = arith.cmpi eq, %arg0, %eq3A : i32
    %convert_element_type3A = arith.extui %eq3A_0 : i1 to i32
    %cond3A = arith.constant 0 : i32
    %cond3A_1 = arith.cmpi ne, %convert_element_type3A, %cond3A : i32
    scf.if %cond3A_1 {
      %iota3A = tpu.iota {dimensions = array<i32: 0>} : vector<30x30x256xi32>
      %iota3A_20 = tpu.iota {dimensions = array<i32: 1>} : vector<30x30x256xi32>
      %iota3A_21 = tpu.iota {dimensions = array<i32: 2>} : vector<30x30x256xi32>
      %lt3A = arith.constant 128 : i32
      %lt3A_22 = vector.broadcast %lt3A : i32 to vector<30x30x256xi32>
      %lt3A_23 = arith.cmpi slt, %iota3A_21, %lt3A_22 : vector<30x30x256xi32>
      %select_n3A = arith.select %lt3A_23, %iota3A, %iota3A_20 : vector<30x30x256xi1>, vector<30x30x256xi32>
      %convert_element_type3A_24 = arith.sitofp %select_n3A : vector<30x30x256xi32> to vector<30x30x256xf32>
      %jit3A = arith.constant 128 : i32
      %eq3A_25 = arith.constant 0 : i32
      %eq3A_26 = arith.cmpi eq, %jit3A, %eq3A_25 : i32
      %jit3A_27 = arith.constant 1 : i32
      %select_n3A_28 = arith.select %eq3A_26, %jit3A_27, %jit3A : i32
      %rem3A = vector.broadcast %select_n3A_28 : i32 to vector<30x30x256xi32>
      %rem3A_29 = arith.remsi %iota3A_21, %rem3A : vector<30x30x256xi32>
      %ne3A = arith.constant 0 : i32
      %ne3A_30 = vector.broadcast %ne3A : i32 to vector<30x30x256xi32>
      %ne3A_31 = arith.cmpi ne, %rem3A_29, %ne3A_30 : vector<30x30x256xi32>
      %lt3A_32 = arith.constant 0 : i32
      %lt3A_33 = vector.broadcast %lt3A_32 : i32 to vector<30x30x256xi32>
      %lt3A_34 = arith.cmpi slt, %rem3A_29, %lt3A_33 : vector<30x30x256xi32>
      %lt3A_35 = arith.constant 0 : i32
      %lt3A_36 = arith.cmpi slt, %select_n3A_28, %lt3A_35 : i32
      %ne3A_37 = vector.broadcast %lt3A_36 : i1 to vector<30x30x256xi1>
      %ne3A_38 = vector.broadcast %ne3A_37 : vector<30x30x256xi1> to vector<30x30x256xi1>
      %ne3A_39 = arith.xori %lt3A_34, %ne3A_38 : vector<30x30x256xi1>
      %and3A = arith.andi %ne3A_39, %ne3A_31 : vector<30x30x256xi1>
      %add3A_40 = vector.broadcast %select_n3A_28 : i32 to vector<30x30x256xi32>
      %add3A_41 = arith.addi %rem3A_29, %add3A_40 : vector<30x30x256xi32>
      %select_n3A_42 = arith.select %and3A, %add3A_41, %rem3A_29 : vector<30x30x256xi1>, vector<30x30x256xi32>
      %jit3A_43 = arith.constant 2 : i32
      %eq3A_44 = arith.constant 0 : i32
      %eq3A_45 = arith.cmpi eq, %jit3A_43, %eq3A_44 : i32
      %jit3A_46 = arith.constant 1 : i32
      %select_n3A_47 = arith.select %eq3A_45, %jit3A_46, %jit3A_43 : i32
      %rem3A_48 = vector.broadcast %select_n3A_47 : i32 to vector<30x30x256xi32>
      %rem3A_49 = arith.remsi %select_n3A_42, %rem3A_48 : vector<30x30x256xi32>
      %ne3A_50 = arith.constant 0 : i32
      %ne3A_51 = vector.broadcast %ne3A_50 : i32 to vector<30x30x256xi32>
      %ne3A_52 = arith.cmpi ne, %rem3A_49, %ne3A_51 : vector<30x30x256xi32>
      %lt3A_53 = arith.constant 0 : i32
      %lt3A_54 = vector.broadcast %lt3A_53 : i32 to vector<30x30x256xi32>
      %lt3A_55 = arith.cmpi slt, %rem3A_49, %lt3A_54 : vector<30x30x256xi32>
      %lt3A_56 = arith.constant 0 : i32
      %lt3A_57 = arith.cmpi slt, %select_n3A_47, %lt3A_56 : i32
      %ne3A_58 = vector.broadcast %lt3A_57 : i1 to vector<30x30x256xi1>
      %ne3A_59 = vector.broadcast %ne3A_58 : vector<30x30x256xi1> to vector<30x30x256xi1>
      %ne3A_60 = arith.xori %lt3A_55, %ne3A_59 : vector<30x30x256xi1>
      %and3A_61 = arith.andi %ne3A_60, %ne3A_52 : vector<30x30x256xi1>
      %add3A_62 = vector.broadcast %select_n3A_47 : i32 to vector<30x30x256xi32>
      %add3A_63 = arith.addi %rem3A_49, %add3A_62 : vector<30x30x256xi32>
      %select_n3A_64 = arith.select %and3A_61, %add3A_63, %rem3A_49 : vector<30x30x256xi1>, vector<30x30x256xi32>
      %sub3A = arith.subi %select_n3A_42, %select_n3A_64 : vector<30x30x256xi32>
      %convert_element_type3A_65 = arith.sitofp %sub3A : vector<30x30x256xi32> to vector<30x30x256xf32>
      %mul3A = arith.constant -0.0719557852 : f32
      %mul3A_66 = vector.broadcast %mul3A : f32 to vector<30x30x256xf32>
      %mul3A_67 = arith.mulf %convert_element_type3A_65, %mul3A_66 : vector<30x30x256xf32>
      %exp3A = math.exp %mul3A_67 : vector<30x30x256xf32>
      %mul3A_68 = arith.mulf %convert_element_type3A_24, %exp3A : vector<30x30x256xf32>
      %jit3A_69 = arith.constant 2 : i32
      %eq3A_70 = arith.constant 0 : i32
      %eq3A_71 = arith.cmpi eq, %jit3A_69, %eq3A_70 : i32
      %jit3A_72 = arith.constant 1 : i32
      %select_n3A_73 = arith.select %eq3A_71, %jit3A_72, %jit3A_69 : i32
      %rem3A_74 = vector.broadcast %select_n3A_73 : i32 to vector<30x30x256xi32>
      %rem3A_75 = arith.remsi %select_n3A_42, %rem3A_74 : vector<30x30x256xi32>
      %ne3A_76 = arith.constant 0 : i32
      %ne3A_77 = vector.broadcast %ne3A_76 : i32 to vector<30x30x256xi32>
      %ne3A_78 = arith.cmpi ne, %rem3A_75, %ne3A_77 : vector<30x30x256xi32>
      %lt3A_79 = arith.constant 0 : i32
      %lt3A_80 = vector.broadcast %lt3A_79 : i32 to vector<30x30x256xi32>
      %lt3A_81 = arith.cmpi slt, %rem3A_75, %lt3A_80 : vector<30x30x256xi32>
      %lt3A_82 = arith.constant 0 : i32
      %lt3A_83 = arith.cmpi slt, %select_n3A_73, %lt3A_82 : i32
      %ne3A_84 = vector.broadcast %lt3A_83 : i1 to vector<30x30x256xi1>
      %ne3A_85 = vector.broadcast %ne3A_84 : vector<30x30x256xi1> to vector<30x30x256xi1>
      %ne3A_86 = arith.xori %lt3A_81, %ne3A_85 : vector<30x30x256xi1>
      %and3A_87 = arith.andi %ne3A_86, %ne3A_78 : vector<30x30x256xi1>
      %add3A_88 = vector.broadcast %select_n3A_73 : i32 to vector<30x30x256xi32>
      %add3A_89 = arith.addi %rem3A_75, %add3A_88 : vector<30x30x256xi32>
      %select_n3A_90 = arith.select %and3A_87, %add3A_89, %rem3A_75 : vector<30x30x256xi1>, vector<30x30x256xi32>
      %eq3A_91 = arith.constant 0 : i32
      %eq3A_92 = vector.broadcast %eq3A_91 : i32 to vector<30x30x256xi32>
      %eq3A_93 = arith.cmpi eq, %select_n3A_90, %eq3A_92 : vector<30x30x256xi32>
      %sin3A = math.sin %mul3A_68 : vector<30x30x256xf32>
      %cos3A = math.cos %mul3A_68 : vector<30x30x256xf32>
      %select_n3A_94 = arith.select %eq3A_93, %sin3A, %cos3A : vector<30x30x256xi1>, vector<30x30x256xf32>
      %swap3A_95 = arith.constant 0 : index
      %swap3A_96 = arith.constant 0 : index
      %swap3A_97 = arith.constant 0 : index
      %swap3A_98 = arith.constant 0 : index
      %swap3A_99 = vector.load %arg4[%swap3A_95, %swap3A_96, %swap3A_97, %swap3A_98] : memref<9x30x30x384xf32, #tpu.memory_space<vmem>>, vector<1x30x30x256xf32>
      %swap3A_100 = vector.shape_cast %swap3A_99 : vector<1x30x30x256xf32> to vector<30x30x256xf32>
      %swap3A_101 = vector.shape_cast %select_n3A_94 : vector<30x30x256xf32> to vector<1x30x30x256xf32>
      tpu.vector_store %arg4[%swap3A_95, %swap3A_96, %swap3A_97, %swap3A_98], %swap3A_101 {strides = array<i32>} : memref<9x30x30x384xf32, #tpu.memory_space<vmem>>, vector<1x30x30x256xf32>,
      %get3A_102 = arith.constant 0 : index
      %get3A_103 = arith.constant 0 : index
      %get3A_104 = vector.load %arg2[%get3A_102, %get3A_103] : memref<9x128xf32, #tpu.memory_space<vmem>>, vector<1x128xf32>
      %get3A_105 = vector.shape_cast %get3A_104 : vector<1x128xf32> to vector<128xf32>
      %broadcast_in_dim3A = vector.shape_cast %get3A_105 : vector<128xf32> to vector<1x1x128xf32>
      %broadcast_in_dim3A_106 = vector.shape_cast %broadcast_in_dim3A : vector<1x1x128xf32> to vector<1x1x128xf32>
      %broadcast_in_dim3A_107 = vector.broadcast %broadcast_in_dim3A_106 : vector<1x1x128xf32> to vector<30x30x128xf32>
      %swap3A_108 = arith.constant 0 : index
      %swap3A_109 = arith.constant 0 : index
      %swap3A_110 = arith.constant 0 : index
      %swap3A_111 = arith.constant 256 : index
      %swap3A_112 = vector.load %arg4[%swap3A_108, %swap3A_109, %swap3A_110, %swap3A_111] : memref<9x30x30x384xf32, #tpu.memory_space<vmem>>, vector<1x30x30x128xf32>
      %swap3A_113 = vector.shape_cast %swap3A_112 : vector<1x30x30x128xf32> to vector<30x30x128xf32>
      %swap3A_114 = vector.shape_cast %broadcast_in_dim3A_107 : vector<30x30x128xf32> to vector<1x30x30x128xf32>
      tpu.vector_store %arg4[%swap3A_108, %swap3A_109, %swap3A_110, %swap3A_111], %swap3A_114 {strides = array<i32>} : memref<9x30x30x384xf32, #tpu.memory_space<vmem>>, vector<1x30x30x128xf32>,
      %swap3A_115 = arith.constant 1 : index
      %swap3A_116 = arith.constant 0 : index
      %swap3A_117 = arith.constant 0 : index
      %swap3A_118 = arith.constant 0 : index
      %swap3A_119 = vector.load %arg4[%swap3A_115, %swap3A_116, %swap3A_117, %swap3A_118] : memref<9x30x30x384xf32, #tpu.memory_space<vmem>>, vector<1x30x30x256xf32>
      %swap3A_120 = vector.shape_cast %swap3A_119 : vector<1x30x30x256xf32> to vector<30x30x256xf32>
      %swap3A_121 = vector.shape_cast %select_n3A_94 : vector<30x30x256xf32> to vector<1x30x30x256xf32>
      tpu.vector_store %arg4[%swap3A_115, %swap3A_116, %swap3A_117, %swap3A_118], %swap3A_121 {strides = array<i32>} : memref<9x30x30x384xf32, #tpu.memory_space<vmem>>, vector<1x30x30x256xf32>,
      %get3A_122 = arith.constant 1 : index
      %get3A_123 = arith.constant 0 : index
      %get3A_124 = vector.load %arg2[%get3A_122, %get3A_123] : memref<9x128xf32, #tpu.memory_space<vmem>>, vector<1x128xf32>
      %get3A_125 = vector.shape_cast %get3A_124 : vector<1x128xf32> to vector<128xf32>
      %broadcast_in_dim3A_126 = vector.shape_cast %get3A_125 : vector<128xf32> to vector<1x1x128xf32>
      %broadcast_in_dim3A_127 = vector.shape_cast %broadcast_in_dim3A_126 : vector<1x1x128xf32> to vector<1x1x128xf32>
      %broadcast_in_dim3A_128 = vector.broadcast %broadcast_in_dim3A_127 : vector<1x1x128xf32> to vector<30x30x128xf32>
      %swap3A_129 = arith.constant 1 : index
      %swap3A_130 = arith.constant 0 : index
      %swap3A_131 = arith.constant 0 : index
      %swap3A_132 = arith.constant 256 : index
      %swap3A_133 = vector.load %arg4[%swap3A_129, %swap3A_130, %swap3A_131, %swap3A_132] : memref<9x30x30x384xf32, #tpu.memory_space<vmem>>, vector<1x30x30x128xf32>
      %swap3A_134 = vector.shape_cast %swap3A_133 : vector<1x30x30x128xf32> to vector<30x30x128xf32>
      %swap3A_135 = vector.shape_cast %broadcast_in_dim3A_128 : vector<30x30x128xf32> to vector<1x30x30x128xf32>
      tpu.vector_store %arg4[%swap3A_129, %swap3A_130, %swap3A_131, %swap3A_132], %swap3A_135 {strides = array<i32>} : memref<9x30x30x384xf32, #tpu.memory_space<vmem>>, vector<1x30x30x128xf32>,
      %swap3A_136 = arith.constant 2 : index
      %swap3A_137 = arith.constant 0 : index
      %swap3A_138 = arith.constant 0 : index
      %swap3A_139 = arith.constant 0 : index
      %swap3A_140 = vector.load %arg4[%swap3A_136, %swap3A_137, %swap3A_138, %swap3A_139] : memref<9x30x30x384xf32, #tpu.memory_space<vmem>>, vector<1x30x30x256xf32>
      %swap3A_141 = vector.shape_cast %swap3A_140 : vector<1x30x30x256xf32> to vector<30x30x256xf32>
      %swap3A_142 = vector.shape_cast %select_n3A_94 : vector<30x30x256xf32> to vector<1x30x30x256xf32>
      tpu.vector_store %arg4[%swap3A_136, %swap3A_137, %swap3A_138, %swap3A_139], %swap3A_142 {strides = array<i32>} : memref<9x30x30x384xf32, #tpu.memory_space<vmem>>, vector<1x30x30x256xf32>,
      %get3A_143 = arith.constant 2 : index
      %get3A_144 = arith.constant 0 : index
      %get3A_145 = vector.load %arg2[%get3A_143, %get3A_144] : memref<9x128xf32, #tpu.memory_space<vmem>>, vector<1x128xf32>
      %get3A_146 = vector.shape_cast %get3A_145 : vector<1x128xf32> to vector<128xf32>
      %broadcast_in_dim3A_147 = vector.shape_cast %get3A_146 : vector<128xf32> to vector<1x1x128xf32>
      %broadcast_in_dim3A_148 = vector.shape_cast %broadcast_in_dim3A_147 : vector<1x1x128xf32> to vector<1x1x128xf32>
      %broadcast_in_dim3A_149 = vector.broadcast %broadcast_in_dim3A_148 : vector<1x1x128xf32> to vector<30x30x128xf32>
      %swap3A_150 = arith.constant 2 : index
      %swap3A_151 = arith.constant 0 : index
      %swap3A_152 = arith.constant 0 : index
      %swap3A_153 = arith.constant 256 : index
      %swap3A_154 = vector.load %arg4[%swap3A_150, %swap3A_151, %swap3A_152, %swap3A_153] : memref<9x30x30x384xf32, #tpu.memory_space<vmem>>, vector<1x30x30x128xf32>
      %swap3A_155 = vector.shape_cast %swap3A_154 : vector<1x30x30x128xf32> to vector<30x30x128xf32>
      %swap3A_156 = vector.shape_cast %broadcast_in_dim3A_149 : vector<30x30x128xf32> to vector<1x30x30x128xf32>
      tpu.vector_store %arg4[%swap3A_150, %swap3A_151, %swap3A_152, %swap3A_153], %swap3A_156 {strides = array<i32>} : memref<9x30x30x384xf32, #tpu.memory_space<vmem>>, vector<1x30x30x128xf32>,
      %swap3A_157 = arith.constant 3 : index
      %swap3A_158 = arith.constant 0 : index
      %swap3A_159 = arith.constant 0 : index
      %swap3A_160 = arith.constant 0 : index
      %swap3A_161 = vector.load %arg4[%swap3A_157, %swap3A_158, %swap3A_159, %swap3A_160] : memref<9x30x30x384xf32, #tpu.memory_space<vmem>>, vector<1x30x30x256xf32>
      %swap3A_162 = vector.shape_cast %swap3A_161 : vector<1x30x30x256xf32> to vector<30x30x256xf32>
      %swap3A_163 = vector.shape_cast %select_n3A_94 : vector<30x30x256xf32> to vector<1x30x30x256xf32>
      tpu.vector_store %arg4[%swap3A_157, %swap3A_158, %swap3A_159, %swap3A_160], %swap3A_163 {strides = array<i32>} : memref<9x30x30x384xf32, #tpu.memory_space<vmem>>, vector<1x30x30x256xf32>,
      %get3A_164 = arith.constant 3 : index
      %get3A_165 = arith.constant 0 : index
      %get3A_166 = vector.load %arg2[%get3A_164, %get3A_165] : memref<9x128xf32, #tpu.memory_space<vmem>>, vector<1x128xf32>
      %get3A_167 = vector.shape_cast %get3A_166 : vector<1x128xf32> to vector<128xf32>
      %broadcast_in_dim3A_168 = vector.shape_cast %get3A_167 : vector<128xf32> to vector<1x1x128xf32>
      %broadcast_in_dim3A_169 = vector.shape_cast %broadcast_in_dim3A_168 : vector<1x1x128xf32> to vector<1x1x128xf32>
      %broadcast_in_dim3A_170 = vector.broadcast %broadcast_in_dim3A_169 : vector<1x1x128xf32> to vector<30x30x128xf32>
      %swap3A_171 = arith.constant 3 : index
      %swap3A_172 = arith.constant 0 : index
      %swap3A_173 = arith.constant 0 : index
      %swap3A_174 = arith.constant 256 : index
      %swap3A_175 = vector.load %arg4[%swap3A_171, %swap3A_172, %swap3A_173, %swap3A_174] : memref<9x30x30x384xf32, #tpu.memory_space<vmem>>, vector<1x30x30x128xf32>
      %swap3A_176 = vector.shape_cast %swap3A_175 : vector<1x30x30x128xf32> to vector<30x30x128xf32>
      %swap3A_177 = vector.shape_cast %broadcast_in_dim3A_170 : vector<30x30x128xf32> to vector<1x30x30x128xf32>
      tpu.vector_store %arg4[%swap3A_171, %swap3A_172, %swap3A_173, %swap3A_174], %swap3A_177 {strides = array<i32>} : memref<9x30x30x384xf32, #tpu.memory_space<vmem>>, vector<1x30x30x128xf32>,
      %swap3A_178 = arith.constant 4 : index
      %swap3A_179 = arith.constant 0 : index
      %swap3A_180 = arith.constant 0 : index
      %swap3A_181 = arith.constant 0 : index
      %swap3A_182 = vector.load %arg4[%swap3A_178, %swap3A_179, %swap3A_180, %swap3A_181] : memref<9x30x30x384xf32, #tpu.memory_space<vmem>>, vector<1x30x30x256xf32>
      %swap3A_183 = vector.shape_cast %swap3A_182 : vector<1x30x30x256xf32> to vector<30x30x256xf32>
      %swap3A_184 = vector.shape_cast %select_n3A_94 : vector<30x30x256xf32> to vector<1x30x30x256xf32>
      tpu.vector_store %arg4[%swap3A_178, %swap3A_179, %swap3A_180, %swap3A_181], %swap3A_184 {strides = array<i32>} : memref<9x30x30x384xf32, #tpu.memory_space<vmem>>, vector<1x30x30x256xf32>,
      %get3A_185 = arith.constant 4 : index
      %get3A_186 = arith.constant 0 : index
      %get3A_187 = vector.load %arg2[%get3A_185, %get3A_186] : memref<9x128xf32, #tpu.memory_space<vmem>>, vector<1x128xf32>
      %get3A_188 = vector.shape_cast %get3A_187 : vector<1x128xf32> to vector<128xf32>
      %broadcast_in_dim3A_189 = vector.shape_cast %get3A_188 : vector<128xf32> to vector<1x1x128xf32>
      %broadcast_in_dim3A_190 = vector.shape_cast %broadcast_in_dim3A_189 : vector<1x1x128xf32> to vector<1x1x128xf32>
      %broadcast_in_dim3A_191 = vector.broadcast %broadcast_in_dim3A_190 : vector<1x1x128xf32> to vector<30x30x128xf32>
      %swap3A_192 = arith.constant 4 : index
      %swap3A_193 = arith.constant 0 : index
      %swap3A_194 = arith.constant 0 : index
      %swap3A_195 = arith.constant 256 : index
      %swap3A_196 = vector.load %arg4[%swap3A_192, %swap3A_193, %swap3A_194, %swap3A_195] : memref<9x30x30x384xf32, #tpu.memory_space<vmem>>, vector<1x30x30x128xf32>
      %swap3A_197 = vector.shape_cast %swap3A_196 : vector<1x30x30x128xf32> to vector<30x30x128xf32>
      %swap3A_198 = vector.shape_cast %broadcast_in_dim3A_191 : vector<30x30x128xf32> to vector<1x30x30x128xf32>
      tpu.vector_store %arg4[%swap3A_192, %swap3A_193, %swap3A_194, %swap3A_195], %swap3A_198 {strides = array<i32>} : memref<9x30x30x384xf32, #tpu.memory_space<vmem>>, vector<1x30x30x128xf32>,
      %swap3A_199 = arith.constant 5 : index
      %swap3A_200 = arith.constant 0 : index
      %swap3A_201 = arith.constant 0 : index
      %swap3A_202 = arith.constant 0 : index
      %swap3A_203 = vector.load %arg4[%swap3A_199, %swap3A_200, %swap3A_201, %swap3A_202] : memref<9x30x30x384xf32, #tpu.memory_space<vmem>>, vector<1x30x30x256xf32>
      %swap3A_204 = vector.shape_cast %swap3A_203 : vector<1x30x30x256xf32> to vector<30x30x256xf32>
      %swap3A_205 = vector.shape_cast %select_n3A_94 : vector<30x30x256xf32> to vector<1x30x30x256xf32>
      tpu.vector_store %arg4[%swap3A_199, %swap3A_200, %swap3A_201, %swap3A_202], %swap3A_205 {strides = array<i32>} : memref<9x30x30x384xf32, #tpu.memory_space<vmem>>, vector<1x30x30x256xf32>,
      %get3A_206 = arith.constant 5 : index
      %get3A_207 = arith.constant 0 : index
      %get3A_208 = vector.load %arg2[%get3A_206, %get3A_207] : memref<9x128xf32, #tpu.memory_space<vmem>>, vector<1x128xf32>
      %get3A_209 = vector.shape_cast %get3A_208 : vector<1x128xf32> to vector<128xf32>
      %broadcast_in_dim3A_210 = vector.shape_cast %get3A_209 : vector<128xf32> to vector<1x1x128xf32>
      %broadcast_in_dim3A_211 = vector.shape_cast %broadcast_in_dim3A_210 : vector<1x1x128xf32> to vector<1x1x128xf32>
      %broadcast_in_dim3A_212 = vector.broadcast %broadcast_in_dim3A_211 : vector<1x1x128xf32> to vector<30x30x128xf32>
      %swap3A_213 = arith.constant 5 : index
      %swap3A_214 = arith.constant 0 : index
      %swap3A_215 = arith.constant 0 : index
      %swap3A_216 = arith.constant 256 : index
      %swap3A_217 = vector.load %arg4[%swap3A_213, %swap3A_214, %swap3A_215, %swap3A_216] : memref<9x30x30x384xf32, #tpu.memory_space<vmem>>, vector<1x30x30x128xf32>
      %swap3A_218 = vector.shape_cast %swap3A_217 : vector<1x30x30x128xf32> to vector<30x30x128xf32>
      %swap3A_219 = vector.shape_cast %broadcast_in_dim3A_212 : vector<30x30x128xf32> to vector<1x30x30x128xf32>
      tpu.vector_store %arg4[%swap3A_213, %swap3A_214, %swap3A_215, %swap3A_216], %swap3A_219 {strides = array<i32>} : memref<9x30x30x384xf32, #tpu.memory_space<vmem>>, vector<1x30x30x128xf32>,
      %swap3A_220 = arith.constant 6 : index
      %swap3A_221 = arith.constant 0 : index
      %swap3A_222 = arith.constant 0 : index
      %swap3A_223 = arith.constant 0 : index
      %swap3A_224 = vector.load %arg4[%swap3A_220, %swap3A_221, %swap3A_222, %swap3A_223] : memref<9x30x30x384xf32, #tpu.memory_space<vmem>>, vector<1x30x30x256xf32>
      %swap3A_225 = vector.shape_cast %swap3A_224 : vector<1x30x30x256xf32> to vector<30x30x256xf32>
      %swap3A_226 = vector.shape_cast %select_n3A_94 : vector<30x30x256xf32> to vector<1x30x30x256xf32>
      tpu.vector_store %arg4[%swap3A_220, %swap3A_221, %swap3A_222, %swap3A_223], %swap3A_226 {strides = array<i32>} : memref<9x30x30x384xf32, #tpu.memory_space<vmem>>, vector<1x30x30x256xf32>,
      %get3A_227 = arith.constant 6 : index
      %get3A_228 = arith.constant 0 : index
      %get3A_229 = vector.load %arg2[%get3A_227, %get3A_228] : memref<9x128xf32, #tpu.memory_space<vmem>>, vector<1x128xf32>
      %get3A_230 = vector.shape_cast %get3A_229 : vector<1x128xf32> to vector<128xf32>
      %broadcast_in_dim3A_231 = vector.shape_cast %get3A_230 : vector<128xf32> to vector<1x1x128xf32>
      %broadcast_in_dim3A_232 = vector.shape_cast %broadcast_in_dim3A_231 : vector<1x1x128xf32> to vector<1x1x128xf32>
      %broadcast_in_dim3A_233 = vector.broadcast %broadcast_in_dim3A_232 : vector<1x1x128xf32> to vector<30x30x128xf32>
      %swap3A_234 = arith.constant 6 : index
      %swap3A_235 = arith.constant 0 : index
      %swap3A_236 = arith.constant 0 : index
      %swap3A_237 = arith.constant 256 : index
      %swap3A_238 = vector.load %arg4[%swap3A_234, %swap3A_235, %swap3A_236, %swap3A_237] : memref<9x30x30x384xf32, #tpu.memory_space<vmem>>, vector<1x30x30x128xf32>
      %swap3A_239 = vector.shape_cast %swap3A_238 : vector<1x30x30x128xf32> to vector<30x30x128xf32>
      %swap3A_240 = vector.shape_cast %broadcast_in_dim3A_233 : vector<30x30x128xf32> to vector<1x30x30x128xf32>
      tpu.vector_store %arg4[%swap3A_234, %swap3A_235, %swap3A_236, %swap3A_237], %swap3A_240 {strides = array<i32>} : memref<9x30x30x384xf32, #tpu.memory_space<vmem>>, vector<1x30x30x128xf32>,
      %swap3A_241 = arith.constant 7 : index
      %swap3A_242 = arith.constant 0 : index
      %swap3A_243 = arith.constant 0 : index
      %swap3A_244 = arith.constant 0 : index
      %swap3A_245 = vector.load %arg4[%swap3A_241, %swap3A_242, %swap3A_243, %swap3A_244] : memref<9x30x30x384xf32, #tpu.memory_space<vmem>>, vector<1x30x30x256xf32>
      %swap3A_246 = vector.shape_cast %swap3A_245 : vector<1x30x30x256xf32> to vector<30x30x256xf32>
      %swap3A_247 = vector.shape_cast %select_n3A_94 : vector<30x30x256xf32> to vector<1x30x30x256xf32>
      tpu.vector_store %arg4[%swap3A_241, %swap3A_242, %swap3A_243, %swap3A_244], %swap3A_247 {strides = array<i32>} : memref<9x30x30x384xf32, #tpu.memory_space<vmem>>, vector<1x30x30x256xf32>,
      %get3A_248 = arith.constant 7 : index
      %get3A_249 = arith.constant 0 : index
      %get3A_250 = vector.load %arg2[%get3A_248, %get3A_249] : memref<9x128xf32, #tpu.memory_space<vmem>>, vector<1x128xf32>
      %get3A_251 = vector.shape_cast %get3A_250 : vector<1x128xf32> to vector<128xf32>
      %broadcast_in_dim3A_252 = vector.shape_cast %get3A_251 : vector<128xf32> to vector<1x1x128xf32>
      %broadcast_in_dim3A_253 = vector.shape_cast %broadcast_in_dim3A_252 : vector<1x1x128xf32> to vector<1x1x128xf32>
      %broadcast_in_dim3A_254 = vector.broadcast %broadcast_in_dim3A_253 : vector<1x1x128xf32> to vector<30x30x128xf32>
      %swap3A_255 = arith.constant 7 : index
      %swap3A_256 = arith.constant 0 : index
      %swap3A_257 = arith.constant 0 : index
      %swap3A_258 = arith.constant 256 : index
      %swap3A_259 = vector.load %arg4[%swap3A_255, %swap3A_256, %swap3A_257, %swap3A_258] : memref<9x30x30x384xf32, #tpu.memory_space<vmem>>, vector<1x30x30x128xf32>
      %swap3A_260 = vector.shape_cast %swap3A_259 : vector<1x30x30x128xf32> to vector<30x30x128xf32>
      %swap3A_261 = vector.shape_cast %broadcast_in_dim3A_254 : vector<30x30x128xf32> to vector<1x30x30x128xf32>
      tpu.vector_store %arg4[%swap3A_255, %swap3A_256, %swap3A_257, %swap3A_258], %swap3A_261 {strides = array<i32>} : memref<9x30x30x384xf32, #tpu.memory_space<vmem>>, vector<1x30x30x128xf32>,
      %swap3A_262 = arith.constant 8 : index
      %swap3A_263 = arith.constant 0 : index
      %swap3A_264 = arith.constant 0 : index
      %swap3A_265 = arith.constant 0 : index
      %swap3A_266 = vector.load %arg4[%swap3A_262, %swap3A_263, %swap3A_264, %swap3A_265] : memref<9x30x30x384xf32, #tpu.memory_space<vmem>>, vector<1x30x30x256xf32>
      %swap3A_267 = vector.shape_cast %swap3A_266 : vector<1x30x30x256xf32> to vector<30x30x256xf32>
      %swap3A_268 = vector.shape_cast %select_n3A_94 : vector<30x30x256xf32> to vector<1x30x30x256xf32>
      tpu.vector_store %arg4[%swap3A_262, %swap3A_263, %swap3A_264, %swap3A_265], %swap3A_268 {strides = array<i32>} : memref<9x30x30x384xf32, #tpu.memory_space<vmem>>, vector<1x30x30x256xf32>,
      %get3A_269 = arith.constant 8 : index
      %get3A_270 = arith.constant 0 : index
      %get3A_271 = vector.load %arg2[%get3A_269, %get3A_270] : memref<9x128xf32, #tpu.memory_space<vmem>>, vector<1x128xf32>
      %get3A_272 = vector.shape_cast %get3A_271 : vector<1x128xf32> to vector<128xf32>
      %broadcast_in_dim3A_273 = vector.shape_cast %get3A_272 : vector<128xf32> to vector<1x1x128xf32>
      %broadcast_in_dim3A_274 = vector.shape_cast %broadcast_in_dim3A_273 : vector<1x1x128xf32> to vector<1x1x128xf32>
      %broadcast_in_dim3A_275 = vector.broadcast %broadcast_in_dim3A_274 : vector<1x1x128xf32> to vector<30x30x128xf32>
      %swap3A_276 = arith.constant 8 : index
      %swap3A_277 = arith.constant 0 : index
      %swap3A_278 = arith.constant 0 : index
      %swap3A_279 = arith.constant 256 : index
      %swap3A_280 = vector.load %arg4[%swap3A_276, %swap3A_277, %swap3A_278, %swap3A_279] : memref<9x30x30x384xf32, #tpu.memory_space<vmem>>, vector<1x30x30x128xf32>
      %swap3A_281 = vector.shape_cast %swap3A_280 : vector<1x30x30x128xf32> to vector<30x30x128xf32>
      %swap3A_282 = vector.shape_cast %broadcast_in_dim3A_275 : vector<30x30x128xf32> to vector<1x30x30x128xf32>
      tpu.vector_store %arg4[%swap3A_276, %swap3A_277, %swap3A_278, %swap3A_279], %swap3A_282 {strides = array<i32>} : memref<9x30x30x384xf32, #tpu.memory_space<vmem>>, vector<1x30x30x128xf32>,
    } else {
    }
    %get3A = arith.constant 0 : index
    %get3A_2 = arith.constant 0 : index
    %get3A_3 = arith.constant 0 : index
    %get3A_4 = arith.constant 0 : index
    %get3A_5 = arith.constant 0 : index
    %get3A_6 = vector.load %arg1[%get3A, %get3A_2, %get3A_3, %get3A_4, %get3A_5] : memref<1x9x30x30x384xf32, #tpu.memory_space<vmem>>, vector<1x9x30x30x384xf32>
    %get3A_7 = vector.shape_cast %get3A_6 : vector<1x9x30x30x384xf32> to vector<9x30x30x384xf32>
    %get3A_8 = arith.constant 0 : index
    %get3A_9 = arith.constant 0 : index
    %get3A_10 = arith.constant 0 : index
    %get3A_11 = arith.constant 0 : index
    %get3A_12 = vector.load %arg4[%get3A_8, %get3A_9, %get3A_10, %get3A_11] : memref<9x30x30x384xf32, #tpu.memory_space<vmem>>, vector<9x30x30x384xf32>
    %add3A = arith.addf %get3A_7, %get3A_12 : vector<9x30x30x384xf32>
    %swap3A = arith.constant 0 : index
    %swap3A_13 = arith.constant 0 : index
    %swap3A_14 = arith.constant 0 : index
    %swap3A_15 = arith.constant 0 : index
    %swap3A_16 = arith.constant 0 : index
    %swap3A_17 = vector.load %arg3[%swap3A, %swap3A_13, %swap3A_14, %swap3A_15, %swap3A_16] : memref<1x9x30x30x384xf32, #tpu.memory_space<vmem>>, vector<1x9x30x30x384xf32>
    %swap3A_18 = vector.shape_cast %swap3A_17 : vector<1x9x30x30x384xf32> to vector<9x30x30x384xf32>
    %swap3A_19 = vector.shape_cast %add3A : vector<9x30x30x384xf32> to vector<1x9x30x30x384xf32>
    tpu.vector_store %arg3[%swap3A, %swap3A_13, %swap3A_14, %swap3A_15, %swap3A_16], %swap3A_19 {strides = array<i32>} : memref<1x9x30x30x384xf32, #tpu.memory_space<vmem>>, vector<1x9x30x30x384xf32>,
    return
  }
  func.func @transform_0(%arg0: i32) -> (i32, i32, i32, i32, i32) {
    %c0_i32 = arith.constant 0 : i32
    %c0_i32_0 = arith.constant 0 : i32
    %c0_i32_1 = arith.constant 0 : i32
    %c0_i32_2 = arith.constant 0 : i32
    %c0_i32_3 = arith.constant 0 : i32
    return %arg0, %c0_i32, %c0_i32_0, %c0_i32_1, %c0_i32_2 : i32, i32, i32, i32, i32
  }
  func.func @transform_1(%arg0: i32) -> (i32, i32) {
    %c0_i32 = arith.constant 0 : i32
    %c0_i32_0 = arith.constant 0 : i32
    %c0_i32_1 = arith.constant 0 : i32
    return %c0_i32, %c0_i32_0 : i32, i32
  }
  func.func @transform_2(%arg0: i32) -> (i32, i32, i32, i32, i32) {
    %c0_i32 = arith.constant 0 : i32
    %c0_i32_0 = arith.constant 0 : i32
    %c0_i32_1 = arith.constant 0 : i32
    %c0_i32_2 = arith.constant 0 : i32
    %c0_i32_3 = arith.constant 0 : i32
    return %arg0, %c0_i32, %c0_i32_0, %c0_i32_1, %c0_i32_2 : i32, i32, i32, i32, i32
  }
}

</mosaic_0001>

<sc_bundles>
// kernel: kernel.4.cloned.1.call-start
scs
__scs_entry_jumppad:
0x0: {  	(pc) =	sbr.rel $0x88, $3  }
0x1: {  	(tag) =	ssettag $0x0;
	lr =	simm.s32 $0x1  }
0x2: {  	[smem:$0x3F9E] =	sst lr;
	_ =	strace $0xD0000000  }
0x3: {  	_ = 	snop  }
0x4: {  	_ = 	snop  }
0x5: {  	_ = 	snop  }
0x6: {  	_ = 	snop  }
0x7: {  	_ = 	snop  }
__scs_overlays_trampoline_lowered:
0x8: {  	[smem:$0x3FAD] =	sst s0  }
0x9: {  	[smem:$0x3FAE] =	sst s1  }
0xa: {  	[smem:$0x3FAF] =	sst s2  }
0xb: {  	[smem:$0x3FB0] =	sst s3  }
0xc: {  	[smem:$0x3FB1] =	sst s4  }
0xd: {  	[smem:$0x3FB2] =	sst s5  }
0xe: {  	[smem:$0x3FB3] =	sst s6  }
0xf: {  	[smem:$0x3FB4] =	sst s7  }
0x10: {  	[smem:$0x3FB5] =	sst s8  }
0x11: {  	[smem:$0x3FB6] =	sst s9;
	s0 =	simm.s32 @!p0 $0x0  }
0x12: {  	s1 =	sld [smem:$0x3F9C];
	s0 =	simm.s32 @p0 $0x1  }
0x13: {  	[smem:$0x3FB7] =	sst s0;
	s0 =	simm.s32 @!p1 $0x0  }
0x14: {  	s2 =	sld [smem:$0x3F9B];
	s0 =	simm.s32 @p1 $0x1  }
0x15: {  	[smem:$0x3FB8] =	sst s0;
	s0 =	simm.s32 @!p2 $0x0  }
0x16: {  	s3 =	sld [smem:$0x3FDB];
	s0 =	simm.s32 @p2 $0x1  }
0x17: {  	s4 =	simm.s32 $0x1BF5;
	[smem:$0x3FBA] =	sst s0  }
0x18: {  	s0 =	sld [smem:$0x3F9D];
	_ =	swait.ge [sflag:s4], $0x0  }
0x19: {  	s7 =	sld [smem:$0x3F9E]  }
0x1a: {  	s8 =	sadd.s32 $0xFFFFE003, lr  }
0x1b: {  	s9 =	sadd.s32 $0xFFFFFEF7, lr;
	s5 =	simm.s32 $0xFFFFFFFF;
	p2 =	slt.u32 s8, $0xFFFFF086  }
0x1c: {  	p1 =	slt.u32 s9, $0xF7A;
	s5 =	simm.s32 @!p2 $0x0  }
0x1d: {  	s5 =	simm.s32 @p1 $0x1;
	p0 =	seq.s32 s7, s2  }
0x1e: {  	s7 =	smul.u32 @!p0 $0xF7A, s2;
	p2 =	seq.s32 @!p0 s5, $0x0  }
0x1f: {  	s9 =	smul.u32 $0xF7A, s1;
	s8 =	simm.s32 @!p0 $0x1BF5;
	p2 =	por !p2, p0  }
0x20: {  	[sflag:s8] =	ssyncset.s32 @!p0 $0xFFFFF086;
	s6 =	sadd.s32 @!p0 s3, s7;
	s7 =	simm.s32 @!p0 $0x108  }
0x21: {  	s3 =	sadd.s32 s3, s9;
	s6 =	sadd.s32 @!p0 $0x88, s6;
	s7 =	simm.s32 @p2 $0x1082  }
0x22: {  	[simem:s7], [sflag:s8] =	dma.local @!p0 [hbm:s6], $0xF7A  }
0x23: {  	s9 =	sor.u32 $0xD0000000, s2;
	s6 =	simm.s32 $0x108;
	_ =	swait.ge @!p0 [sflag:s8], $0x0  }
0x24: {  	s3 =	sadd.s32 $0x88, s3;
	s6 =	simm.s32 @!p1 $0x1082;
	[sflag:s4] =	ssyncset.s32 $0xFFFFF086  }
0x25: {  	[simem:s6], [sflag:s4] =	dma.local [hbm:s3], $0xF7A  }
0x26: {  	[smem:$0x3F9E] =	sst s1;
	(tag) =	ssettag s2;
	_ =	strace s9  }
0x27: {  	s1 =	sld [smem:$0x3FAE]  }
0x28: {  	s2 =	sld [smem:$0x3FAF]  }
0x29: {  	s4 =	sld [smem:$0x3FB1]  }
0x2a: {  	p0 =	seq.s32 s5, $0x0;
	s5 =	sld [smem:$0x3FB2]  }
0x2b: {  	s6 =	sld [smem:$0x3FB3]  }
0x2c: {  	s7 =	sld [smem:$0x3FB4]  }
0x2d: {  	s3 =	simm.s32 $0x108;
	s8 =	sld [smem:$0x3FB5]  }
0x2e: {  	s3 =	simm.s32 @!p0 $0x1082;
	s9 =	sld [smem:$0x3FB6]  }
0x2f: {  	lr =	sadd.s32 s0, s3;
	s0 =	sld [smem:$0x3FAD]  }
0x30: {  	s3 =	sld [smem:$0x3FB0]  }
0x31: {  	[smem:$0x3FB9] =	sst s10  }
0x32: {  	s10 =	sld [smem:$0x3FB7];
	_ =	sdelay $0x3  }
0x33: {  	p0 =	seq.s32 s10, $0x1;
	s10 =	sld [smem:$0x3FB9];
	_ =	sdelay $0x3  }
0x34: {  	[smem:$0x3FB9] =	sst s10  }
0x35: {  	s10 =	sld [smem:$0x3FB8];
	_ =	sdelay $0x3  }
0x36: {  	p1 =	seq.s32 s10, $0x1;
	s10 =	sld [smem:$0x3FB9];
	_ =	sdelay $0x3  }
0x37: {  	[smem:$0x3FB9] =	sst s10  }
0x38: {  	s10 =	sld [smem:$0x3FBA]  }
0x39: {  	_ = 	snop;
	(pc) =	sbr.ind lr, $3  }
0x3a: {  	_ = 	snop  }
0x3b: {  	_ = 	snop  }
0x3c: {  	p2 =	seq.s32 s10, $0x1;
	s10 =	sld [smem:$0x3FB9]  }
0x3d: {  	_ =	shalt  }
0x3e: {  	_ =	shalt  }
0x3f: {  	_ =	shalt  }
0x40: {  	_ =	shalt  }
0x41: {  	_ =	shalt  }
0x42: {  	_ =	shalt  }
0x43: {  	_ =	shalt  }
0x44: {  	_ =	shalt  }
0x45: {  	_ =	shalt  }
0x46: {  	_ =	shalt  }
0x47: {  	_ =	shalt  }
0x48: {  	_ =	shalt  }
0x49: {  	_ =	shalt  }
0x4a: {  	_ =	shalt  }
0x4b: {  	_ =	shalt  }
0x4c: {  	_ =	shalt  }
0x4d: {  	_ =	shalt  }
0x4e: {  	_ =	shalt  }
0x4f: {  	_ =	shalt  }
0x50: {  	_ =	shalt  }
0x51: {  	_ =	shalt  }
0x52: {  	_ =	shalt  }
0x53: {  	_ =	shalt  }
0x54: {  	_ =	shalt  }
0x55: {  	_ =	shalt  }
0x56: {  	_ =	shalt  }
0x57: {  	_ =	shalt  }
0x58: {  	_ =	shalt  }
0x59: {  	_ =	shalt  }
0x5a: {  	_ =	shalt  }
0x5b: {  	_ =	shalt  }
0x5c: {  	_ =	shalt  }
0x5d: {  	_ =	shalt  }
0x5e: {  	_ =	shalt  }
0x5f: {  	_ =	shalt  }
0x60: {  	_ =	shalt  }
0x61: {  	_ =	shalt  }
0x62: {  	_ =	shalt  }
0x63: {  	_ =	shalt  }
0x64: {  	_ =	shalt  }
0x65: {  	_ =	shalt  }
0x66: {  	_ =	shalt  }
0x67: {  	_ =	shalt  }
0x68: {  	_ =	shalt  }
0x69: {  	_ =	shalt  }
0x6a: {  	_ =	shalt  }
0x6b: {  	_ =	shalt  }
0x6c: {  	_ =	shalt  }
0x6d: {  	_ =	shalt  }
0x6e: {  	_ =	shalt  }
0x6f: {  	_ =	shalt  }
0x70: {  	_ =	shalt  }
0x71: {  	_ =	shalt  }
0x72: {  	_ =	shalt  }
0x73: {  	_ =	shalt  }
0x74: {  	_ =	shalt  }
0x75: {  	_ =	shalt  }
0x76: {  	_ =	shalt  }
0x77: {  	_ =	shalt  }
0x78: {  	_ =	shalt  }
0x79: {  	_ =	shalt  }
0x7a: {  	_ =	shalt  }
0x7b: {  	_ =	shalt  }
0x7c: {  	_ =	shalt  }
0x7d: {  	_ =	shalt  }
0x7e: {  	_ =	shalt  }
0x7f: {  	_ =	shalt  }
0x80: {  	_ =	shalt  }
0x81: {  	_ =	shalt  }
0x82: {  	_ =	shalt  }
0x83: {  	_ =	shalt  }
0x84: {  	_ =	shalt  }
0x85: {  	_ =	shalt  }
0x86: {  	_ =	shalt  }
0x87: {  	_ =	shalt  }
.Lfunc_end0:
.L_simem_size_0:
called_computation_lowered:
.L_overlay_start_0:
0x88: {  	s2 =	sld [smem:$0x3FD9]  }
0x89: {  	s3 =	sld [smem:$0x3FFE];
	_ =	sdelay $0x1  }
0x8a: {  	s1 =	srdreg.scid  }
0x8b: {  	s0 =	sand.u32 $0x1, s1  }
0x8c: {  	s17 =	sshll.u32 s0, $0xA;
	s2 =	sadd.s32 s3, s2  }
0x8d: {  	s2 =	sadd.s32 s2, s17  }
0x8e: {  	[smem:$0x3FC5] =	sst s2  }
0x8f: {  	_ = 	snop  }
0x90: {  	s2 =	sld [smem:$0x3FD0];
	(tm) =	ssettm $0x1  }
0x91: {  	s18 =	sld [smem:$0x3FFB];
	_ =	sdelay $0x3  }
0x92: {  	_ =	strace s18  }
0x93: {  	s3 =	sld [smem:$0x3FFC];
	_ =	sdelay $0x3  }
0x94: {  	_ =	strace s3  }
0x95: {  	s3 =	sld [smem:$0x3FFD];
	_ =	sdelay $0x3  }
0x96: {  	_ =	strace s3  }
0x97: {  	_ =	strace $0x8FFFFFFF  }
0x98: {  	s19 =	sld [smem:$0x3FDB];
	_ =	sdelay $0x1  }
0x99: {  	s4 =	simm.s32 $_scs_section_size  }
0x9a: {  	s5 =	simm.s32 $_size__tile_overlayer_lowered;
	s6 =	simm.s32 $_tile_overlayer_lowered  }
0x9b: {  	s22 =	simm.s32 $0x1BFF;
	s21 =	sshll.u32 s6, $0x1;
	s3 =	sadd.s32 s4, s19  }
0x9c: {  	s7 =	simm.s32 $0x0;
	s20 =	sshll.u32 s5, $0x1;
	s5 =	sadd.s32 s21, s3  }
0x9d: {  	[timem:s7], [sflag:s22] =	dma.local [hbm:s5], s20  }
0x9e: {  	_ =	swait.ge [sflag:s22], s20  }
0x9f: {  	s4 =	ssub.s32 $0x0, s20;
	[sflag:s22] =	ssyncset.done $0x0  }
0xa0: {  	[sflag:s22] =	ssyncadd.s32 s4;
	_ =	sdelay $0x1  }
0xa1: {  	s23 =	simm.s32 $0x1B8B  }
0xa2: {  	_ =	swait.ge [sflag:s23], $0x1  }
0xa3: {  	[sflag:s23] =	ssyncset.done $0x0  }
0xa4: {  	s25 =	simm.s32 $0x1B8E;
	s24 =	sld [smem:$0x3FFE];
	[sflag:s23] =	ssyncadd.s32 $0xFFFFFFFF  }
0xa5: {  	s26 =	simm.s32 $execute0_lowered;
	[smem:$0x3FD2] =	sst s25  }
0xa6: {  	s5 =	sshll.u32 s26, $0x1;
	_ =	strace $0x80000046;
	[dreg:$0x1] =	wrdreg $0xFFFFFFFF  }
0xa7: {  	s28 =	simm.s32 $_size_execute0_lowered;
	s3 =	sadd.s32 s3, s5;
	[dreg:$0x0] =	wrdreg $0x0  }
0xa8: {  	s5 =	sshll.u32 s28, $0x1;
	[dreg:$0x2] =	wrdreg s3  }
0xa9: {  	[dreg:$0x3] =	wrdreg s5  }
0xaa: {  	[dreg:$0x4] =	wrdreg $0xC0  }
0xab: {  	_ =	task [dreg:s7], $0x5FFFF  }
0xac: {  	[dreg:$0x1] =	wrdreg $0xFFFFFFFF  }
0xad: {  	[dreg:$0x0] =	wrdreg $0x60  }
0xae: {  	[dreg:$0x2] =	wrdreg s24  }
0xaf: {  	[dreg:$0x3] =	wrdreg s2  }
0xb0: {  	[dreg:$0x4] =	wrdreg $0x9  }
0xb1: {  	_ =	task.clear_ibuf [dreg:s7], $0x5FFFF;
	_ =	strace $0x90000046  }
0xb2: {  	s29 =	simm.s32 $0x9;
	_ =	strace $0x80000048  }
0xb3: {  	_ =	swait.ge [sflag:s29], $0x1  }
0xb4: {  	[sflag:s29] =	ssyncadd.s32 $0xFFFFFFFF  }
0xb5: {  	_ =	strace $0x90000048  }
0xb6: {  	_ =	sfence  }
0xb7: {  	s30 =	sld [smem:$0x0];
	_ =	sdelay $0x2  }
0xb8: {  	s31 =	sshll.u32 s1, $0xD;
	s1 =	sshrl.u32 s1, $0x2  }
0xb9: {  	s3 =	sand.u32 $0x4000, s31;
	s1 =	sadd.s32 s1, s30  }
0xba: {  	s0 =	sor.u32 s3, s0;
	s1 =	sshll.u32 s1, $0x11  }
0xbb: {  	s0 =	sor.u32 s1, s0  }
0xbc: {  	s0 =	sadd.s32 $0x8F2B, s0  }
0xbd: {  	[sflag:s0] =	ssyncadd.remote.s32 $0x1  }
0xbe: {  	_ =	sfence.sel $0xFFFF  }
0xbf: {  	[dreg:$0x0] =	wrdreg $0xFFFFFFFF;
	(pc) =	sbr.abs _section_cstart, $3  }
0xc0: {  	[dreg:$0x1] =	wrdreg $0xFFFFFFFF  }
0xc1: {  	_ =	task.clear_ibuf [dreg:s7], $0x2FFFF;
	_ =	strace $0x9FFFFFFF  }
0xc2: {  	(tm) =	ssettm $0x7FFFFFFF  }
0xc3: {  	_ =	shalt  }
tec
execute0_lowered:
.L_overlay_start_1:
0x0: {  	(tag) =	ssettag $0x1  }
0x1: {  	s0 =	srdreg.scid  }
0x2: {  	s1 =	stileid.u32;
	s29 =	sand.u32 $0x1, s0  }
0x3: {  	s4 =	sor.u32 s1, s29  }
0x4: {  	p0 =	sne.s32 s4, $0x0  }
.Ltmp0:
0x5: {  	_ = 	snop;
	(pc) =	sbr.rel @p0 .LBB2_4-.Ltmp0, $4  }
0x6: {  	s28 =	rddreg [dreg:$0x0]  }
0x7: {  	s2 =	rddreg [dreg:$0x1];
	s3 =	simm.s32 $0x0  }
0x8: {  	[smem:$0x7FF] =	sst s3  }
0x9: {  	s0 =	rddreg [dreg:$0x2];
	_ =	strace $0x80000047  }
0xa: {  	s5 =	sadd.s32 $0x400, s28;
	s4 =	simm.s32 $0x1  }
0xb: {  	[tilespmem:s3], [sflag:$0x1] =	stream.linear.gather [hbm4b:s5+s3], $0x40, $0x38;
	[tilespmem:$0x80] =	vst v63  }
0xc: {  	_ =	swait.ge [sflag:s4], $0x40  }
0xd: {  	[sflag:s4] =	ssyncset.done $0x0  }
0xe: {  	[sflag:s4] =	ssyncadd.s32 $0xFFFFFFC0  }
0xf: {  	[hbm4b:s2+s3] =	stream.linear.scatter [tilespmem:s3], [sflag:$0x1], $0x40, $0x38;
	[tilespmem:$0x80] =	vst v63  }
0x10: {  	_ =	swait.ge [sflag:s4], $0x40  }
0x11: {  	[sflag:s4] =	ssyncset.done $0x0  }
0x12: {  	s6 =	sadd.s32 $0x600, s28;
	[sflag:s4] =	ssyncadd.s32 $0xFFFFFFC0  }
0x13: {  	[tilespmem:s3], [sflag:$0x1] =	stream.linear.gather [hbm4b:s6+s3], $0x40, $0x38;
	[tilespmem:$0x80] =	vst v63  }
0x14: {  	_ =	swait.ge [sflag:s4], $0x40  }
0x15: {  	[sflag:s4] =	ssyncset.done $0x0  }
0x16: {  	s7 =	sadd.s32 $0x8, s2;
	[sflag:s4] =	ssyncadd.s32 $0xFFFFFFC0  }
0x17: {  	[hbm4b:s7+s3] =	stream.linear.scatter [tilespmem:s3], [sflag:$0x1], $0x40, $0x38;
	[tilespmem:$0x80] =	vst v63  }
0x18: {  	_ =	swait.ge [sflag:s4], $0x40  }
0x19: {  	[sflag:s4] =	ssyncset.done $0x0  }
0x1a: {  	s8 =	sadd.s32 $0x408, s28;
	[sflag:s4] =	ssyncadd.s32 $0xFFFFFFC0  }
0x1b: {  	[tilespmem:s3], [sflag:$0x1] =	stream.linear.gather [hbm4b:s8+s3], $0x40, $0x38;
	[tilespmem:$0x80] =	vst v63  }
0x1c: {  	_ =	swait.ge [sflag:s4], $0x40  }
0x1d: {  	[sflag:s4] =	ssyncset.done $0x0  }
0x1e: {  	s9 =	sadd.s32 $0x10, s2;
	[sflag:s4] =	ssyncadd.s32 $0xFFFFFFC0  }
0x1f: {  	[hbm4b:s9+s3] =	stream.linear.scatter [tilespmem:s3], [sflag:$0x1], $0x40, $0x38;
	[tilespmem:$0x80] =	vst v63  }
0x20: {  	_ =	swait.ge [sflag:s4], $0x40  }
0x21: {  	[sflag:s4] =	ssyncset.done $0x0  }
0x22: {  	[sflag:s4] =	ssyncadd.s32 $0xFFFFFFC0  }
0x23: {  	[tilespmem:s3], [sflag:$0x1] =	stream.linear.gather [hbm4b:s6+s3], $0x40, $0x38;
	[tilespmem:$0x80] =	vst v63  }
0x24: {  	_ =	swait.ge [sflag:s4], $0x40  }
0x25: {  	[sflag:s4] =	ssyncset.done $0x0  }
0x26: {  	s10 =	sadd.s32 $0x18, s2;
	[sflag:s4] =	ssyncadd.s32 $0xFFFFFFC0  }
0x27: {  	[hbm4b:s10+s3] =	stream.linear.scatter [tilespmem:s3], [sflag:$0x1], $0x40, $0x38;
	[tilespmem:$0x80] =	vst v63  }
0x28: {  	_ =	swait.ge [sflag:s4], $0x40  }
0x29: {  	[sflag:s4] =	ssyncset.done $0x0  }
0x2a: {  	[sflag:s4] =	ssyncadd.s32 $0xFFFFFFC0  }
0x2b: {  	[tilespmem:s3], [sflag:$0x1] =	stream.linear.gather [hbm4b:s5+s3], $0x40, $0x38;
	[tilespmem:$0x80] =	vst v63  }
0x2c: {  	_ =	swait.ge [sflag:s4], $0x40  }
0x2d: {  	[sflag:s4] =	ssyncset.done $0x0  }
0x2e: {  	s11 =	sadd.s32 $0x20, s2;
	[sflag:s4] =	ssyncadd.s32 $0xFFFFFFC0  }
0x2f: {  	[hbm4b:s11+s3] =	stream.linear.scatter [tilespmem:s3], [sflag:$0x1], $0x40, $0x38;
	[tilespmem:$0x80] =	vst v63  }
0x30: {  	_ =	swait.ge [sflag:s4], $0x40  }
0x31: {  	[sflag:s4] =	ssyncset.done $0x0  }
0x32: {  	s12 =	sadd.s32 $0x608, s28;
	[sflag:s4] =	ssyncadd.s32 $0xFFFFFFC0  }
0x33: {  	[tilespmem:s3], [sflag:$0x1] =	stream.linear.gather [hbm4b:s12+s3], $0x40, $0x38;
	[tilespmem:$0x80] =	vst v63  }
0x34: {  	_ =	swait.ge [sflag:s4], $0x40  }
0x35: {  	[sflag:s4] =	ssyncset.done $0x0  }
0x36: {  	s13 =	sadd.s32 $0x28, s2;
	[sflag:s4] =	ssyncadd.s32 $0xFFFFFFC0  }
0x37: {  	[hbm4b:s13+s3] =	stream.linear.scatter [tilespmem:s3], [sflag:$0x1], $0x40, $0x38;
	[tilespmem:$0x80] =	vst v63  }
0x38: {  	_ =	swait.ge [sflag:s4], $0x40  }
0x39: {  	[sflag:s4] =	ssyncset.done $0x0  }
0x3a: {  	[sflag:s4] =	ssyncadd.s32 $0xFFFFFFC0  }
0x3b: {  	[tilespmem:s3], [sflag:$0x1] =	stream.linear.gather [hbm4b:s8+s3], $0x40, $0x38;
	[tilespmem:$0x80] =	vst v63  }
0x3c: {  	_ =	swait.ge [sflag:s4], $0x40  }
0x3d: {  	[sflag:s4] =	ssyncset.done $0x0  }
0x3e: {  	s14 =	sadd.s32 $0x30, s2;
	[sflag:s4] =	ssyncadd.s32 $0xFFFFFFC0  }
0x3f: {  	[hbm4b:s14+s3] =	stream.linear.scatter [tilespmem:s3], [sflag:$0x1], $0x40, $0x38;
	[tilespmem:$0x80] =	vst v63  }
0x40: {  	_ =	swait.ge [sflag:s4], $0x40  }
0x41: {  	[sflag:s4] =	ssyncset.done $0x0  }
0x42: {  	[sflag:s4] =	ssyncadd.s32 $0xFFFFFFC0  }
0x43: {  	[tilespmem:s3], [sflag:$0x1] =	stream.linear.gather [hbm4b:s12+s3], $0x40, $0x38;
	[tilespmem:$0x80] =	vst v63  }
0x44: {  	_ =	swait.ge [sflag:s4], $0x40  }
0x45: {  	[sflag:s4] =	ssyncset.done $0x0  }
0x46: {  	s15 =	sadd.s32 $0x38, s2;
	[sflag:s4] =	ssyncadd.s32 $0xFFFFFFC0  }
0x47: {  	[hbm4b:s15+s3] =	stream.linear.scatter [tilespmem:s3], [sflag:$0x1], $0x40, $0x38;
	[tilespmem:$0x80] =	vst v63  }
0x48: {  	_ =	swait.ge [sflag:s4], $0x40  }
0x49: {  	[sflag:s4] =	ssyncset.done $0x0  }
0x4a: {  	[sflag:s4] =	ssyncadd.s32 $0xFFFFFFC0  }
0x4b: {  	[tilespmem:s3], [sflag:$0x1] =	stream.linear.gather [hbm4b:s5+s3], $0x40, $0x38;
	[tilespmem:$0x80] =	vst v63  }
0x4c: {  	_ =	swait.ge [sflag:s4], $0x40  }
0x4d: {  	[sflag:s4] =	ssyncset.done $0x0  }
0x4e: {  	s16 =	sadd.s32 $0x40, s2;
	[sflag:s4] =	ssyncadd.s32 $0xFFFFFFC0  }
0x4f: {  	[hbm4b:s16+s3] =	stream.linear.scatter [tilespmem:s3], [sflag:$0x1], $0x40, $0x38;
	[tilespmem:$0x80] =	vst v63  }
0x50: {  	_ =	swait.ge [sflag:s4], $0x40  }
0x51: {  	[sflag:s4] =	ssyncset.done $0x0  }
0x52: {  	s17 =	sadd.s32 $0x610, s28;
	[sflag:s4] =	ssyncadd.s32 $0xFFFFFFC0  }
0x53: {  	[tilespmem:s3], [sflag:$0x1] =	stream.linear.gather [hbm4b:s17+s3], $0x40, $0x38;
	[tilespmem:$0x80] =	vst v63  }
0x54: {  	_ =	swait.ge [sflag:s4], $0x40  }
0x55: {  	[sflag:s4] =	ssyncset.done $0x0  }
0x56: {  	s18 =	sadd.s32 $0x48, s2;
	[sflag:s4] =	ssyncadd.s32 $0xFFFFFFC0  }
0x57: {  	[hbm4b:s18+s3] =	stream.linear.scatter [tilespmem:s3], [sflag:$0x1], $0x40, $0x38;
	[tilespmem:$0x80] =	vst v63  }
0x58: {  	_ =	swait.ge [sflag:s4], $0x40  }
0x59: {  	[sflag:s4] =	ssyncset.done $0x0  }
0x5a: {  	[sflag:s4] =	ssyncadd.s32 $0xFFFFFFC0  }
0x5b: {  	[tilespmem:s3], [sflag:$0x1] =	stream.linear.gather [hbm4b:s8+s3], $0x40, $0x38;
	[tilespmem:$0x80] =	vst v63  }
0x5c: {  	_ =	swait.ge [sflag:s4], $0x40  }
0x5d: {  	[sflag:s4] =	ssyncset.done $0x0  }
0x5e: {  	s19 =	sadd.s32 $0x50, s2;
	[sflag:s4] =	ssyncadd.s32 $0xFFFFFFC0  }
0x5f: {  	[hbm4b:s19+s3] =	stream.linear.scatter [tilespmem:s3], [sflag:$0x1], $0x40, $0x38;
	[tilespmem:$0x80] =	vst v63  }
0x60: {  	_ =	swait.ge [sflag:s4], $0x40  }
0x61: {  	[sflag:s4] =	ssyncset.done $0x0  }
0x62: {  	[sflag:s4] =	ssyncadd.s32 $0xFFFFFFC0  }
0x63: {  	[tilespmem:s3], [sflag:$0x1] =	stream.linear.gather [hbm4b:s17+s3], $0x40, $0x38;
	[tilespmem:$0x80] =	vst v63  }
0x64: {  	_ =	swait.ge [sflag:s4], $0x40  }
0x65: {  	[sflag:s4] =	ssyncset.done $0x0  }
0x66: {  	s20 =	sadd.s32 $0x58, s2;
	[sflag:s4] =	ssyncadd.s32 $0xFFFFFFC0  }
0x67: {  	[hbm4b:s20+s3] =	stream.linear.scatter [tilespmem:s3], [sflag:$0x1], $0x40, $0x38;
	[tilespmem:$0x80] =	vst v63  }
0x68: {  	_ =	swait.ge [sflag:s4], $0x40  }
0x69: {  	[sflag:s4] =	ssyncset.done $0x0  }
0x6a: {  	[sflag:s4] =	ssyncadd.s32 $0xFFFFFFC0  }
0x6b: {  	[tilespmem:s3], [sflag:$0x1] =	stream.linear.gather [hbm4b:s5+s3], $0x40, $0x38;
	[tilespmem:$0x80] =	vst v63  }
0x6c: {  	_ =	swait.ge [sflag:s4], $0x40  }
0x6d: {  	[sflag:s4] =	ssyncset.done $0x0  }
0x6e: {  	s21 =	sadd.s32 $0x60, s2;
	[sflag:s4] =	ssyncadd.s32 $0xFFFFFFC0  }
0x6f: {  	[hbm4b:s21+s3] =	stream.linear.scatter [tilespmem:s3], [sflag:$0x1], $0x40, $0x38;
	[tilespmem:$0x80] =	vst v63  }
0x70: {  	_ =	swait.ge [sflag:s4], $0x40  }
0x71: {  	[sflag:s4] =	ssyncset.done $0x0  }
0x72: {  	s22 =	sadd.s32 $0x618, s28;
	[sflag:s4] =	ssyncadd.s32 $0xFFFFFFC0  }
0x73: {  	[tilespmem:s3], [sflag:$0x1] =	stream.linear.gather [hbm4b:s22+s3], $0x40, $0x38;
	[tilespmem:$0x80] =	vst v63  }
0x74: {  	_ =	swait.ge [sflag:s4], $0x40  }
0x75: {  	[sflag:s4] =	ssyncset.done $0x0  }
0x76: {  	s23 =	sadd.s32 $0x68, s2;
	[sflag:s4] =	ssyncadd.s32 $0xFFFFFFC0  }
0x77: {  	[hbm4b:s23+s3] =	stream.linear.scatter [tilespmem:s3], [sflag:$0x1], $0x40, $0x38;
	[tilespmem:$0x80] =	vst v63  }
0x78: {  	_ =	swait.ge [sflag:s4], $0x40  }
0x79: {  	[sflag:s4] =	ssyncset.done $0x0  }
0x7a: {  	[sflag:s4] =	ssyncadd.s32 $0xFFFFFFC0  }
0x7b: {  	[tilespmem:s3], [sflag:$0x1] =	stream.linear.gather [hbm4b:s8+s3], $0x40, $0x38;
	[tilespmem:$0x80] =	vst v63  }
0x7c: {  	_ =	swait.ge [sflag:s4], $0x40  }
0x7d: {  	[sflag:s4] =	ssyncset.done $0x0  }
0x7e: {  	s24 =	sadd.s32 $0x70, s2;
	[sflag:s4] =	ssyncadd.s32 $0xFFFFFFC0  }
0x7f: {  	[hbm4b:s24+s3] =	stream.linear.scatter [tilespmem:s3], [sflag:$0x1], $0x40, $0x38;
	[tilespmem:$0x80] =	vst v63  }
0x80: {  	_ =	swait.ge [sflag:s4], $0x40  }
0x81: {  	[sflag:s4] =	ssyncset.done $0x0  }
0x82: {  	[sflag:s4] =	ssyncadd.s32 $0xFFFFFFC0  }
0x83: {  	[tilespmem:s3], [sflag:$0x1] =	stream.linear.gather [hbm4b:s22+s3], $0x40, $0x38;
	[tilespmem:$0x80] =	vst v63  }
0x84: {  	_ =	swait.ge [sflag:s4], $0x40  }
0x85: {  	[sflag:s4] =	ssyncset.done $0x0  }
0x86: {  	s25 =	sadd.s32 $0x78, s2;
	[sflag:s4] =	ssyncadd.s32 $0xFFFFFFC0  }
0x87: {  	[hbm4b:s25+s3] =	stream.linear.scatter [tilespmem:s3], [sflag:$0x1], $0x40, $0x38;
	[tilespmem:$0x80] =	vst v63  }
0x88: {  	_ =	swait.ge [sflag:s4], $0x40  }
0x89: {  	[sflag:s4] =	ssyncset.done $0x0  }
0x8a: {  	[sflag:s4] =	ssyncadd.s32 $0xFFFFFFC0  }
0x8b: {  	[tilespmem:s3], [sflag:$0x1] =	stream.linear.gather [hbm4b:s5+s3], $0x40, $0x38;
	[tilespmem:$0x80] =	vst v63  }
0x8c: {  	_ =	swait.ge [sflag:s4], $0x40  }
0x8d: {  	[sflag:s4] =	ssyncset.done $0x0  }
0x8e: {  	s26 =	sadd.s32 $0x80, s2;
	[sflag:s4] =	ssyncadd.s32 $0xFFFFFFC0  }
0x8f: {  	[hbm4b:s26+s3] =	stream.linear.scatter [tilespmem:s3], [sflag:$0x1], $0x40, $0x38;
	[tilespmem:$0x80] =	vst v63  }
0x90: {  	s29 =	ssub.s32 $0x2, s29;
	_ =	swait.ge [sflag:s4], $0x40  }
0x91: {  	s30 =	sshrl.u32 s29, $0x1;
	[sflag:s4] =	ssyncset.done $0x0  }
0x92: {  	s28 =	sadd.s32 $0x620, s28;
	s30 =	ssub.s32 s29, s30;
	[sflag:s4] =	ssyncadd.s32 $0xFFFFFFC0  }
0x93: {  	[tilespmem:s3], [sflag:$0x1] =	stream.linear.gather [hbm4b:s28+s3], $0x40, $0x38;
	[tilespmem:$0x80] =	vst v63  }
0x94: {  	p0 =	sne.s32 s30, $0x1;
	_ =	swait.ge [sflag:s4], $0x40  }
.Ltmp1:
0x95: {  	[sflag:s4] =	ssyncset.done $0x0;
	(pc) =	sbr.rel @!p0 .LBB2_3-.Ltmp1, $4  }
0x96: {  	s29 =	sadd.s32 $0x88, s2;
	[sflag:s4] =	ssyncadd.s32 $0xFFFFFFC0  }
0x97: {  	[hbm4b:s29+s3] =	stream.linear.scatter [tilespmem:s3], [sflag:$0x1], $0x40, $0x38;
	[tilespmem:$0x80] =	vst v63  }
0x98: {  	_ =	swait.ge [sflag:s4], $0x40  }
0x99: {  	s30 =	sadd.s32 $0xFFFFFFFF, s30;
	[sflag:s4] =	ssyncset.done $0x0  }
.LBB2_2:
0x9a: {  	p0 =	sne.s32 s30, $0x1;
	s30 =	sadd.s32 $0xFFFFFFFF, s30;
	[sflag:s4] =	ssyncadd.s32 $0xFFFFFFC0  }
0x9b: {  	[tilespmem:s3], [sflag:$0x1] =	stream.linear.gather [hbm4b:s5+s3], $0x40, $0x38;
	[tilespmem:$0x80] =	vst v63  }
0x9c: {  	_ =	swait.ge [sflag:s4], $0x40  }
0x9d: {  	[sflag:s4] =	ssyncset.done $0x0  }
0x9e: {  	[sflag:s4] =	ssyncadd.s32 $0xFFFFFFC0  }
0x9f: {  	[hbm4b:s2+s3] =	stream.linear.scatter [tilespmem:s3], [sflag:$0x1], $0x40, $0x38;
	[tilespmem:$0x80] =	vst v63  }
0xa0: {  	_ =	swait.ge [sflag:s4], $0x40  }
0xa1: {  	[sflag:s4] =	ssyncset.done $0x0  }
0xa2: {  	[sflag:s4] =	ssyncadd.s32 $0xFFFFFFC0  }
0xa3: {  	[tilespmem:s3], [sflag:$0x1] =	stream.linear.gather [hbm4b:s6+s3], $0x40, $0x38;
	[tilespmem:$0x80] =	vst v63  }
0xa4: {  	_ =	swait.ge [sflag:s4], $0x40  }
0xa5: {  	[sflag:s4] =	ssyncset.done $0x0  }
0xa6: {  	[sflag:s4] =	ssyncadd.s32 $0xFFFFFFC0  }
0xa7: {  	[hbm4b:s7+s3] =	stream.linear.scatter [tilespmem:s3], [sflag:$0x1], $0x40, $0x38;
	[tilespmem:$0x80] =	vst v63  }
0xa8: {  	_ =	swait.ge [sflag:s4], $0x40  }
0xa9: {  	[sflag:s4] =	ssyncset.done $0x0  }
0xaa: {  	[sflag:s4] =	ssyncadd.s32 $0xFFFFFFC0  }
0xab: {  	[tilespmem:s3], [sflag:$0x1] =	stream.linear.gather [hbm4b:s8+s3], $0x40, $0x38;
	[tilespmem:$0x80] =	vst v63  }
0xac: {  	_ =	swait.ge [sflag:s4], $0x40  }
0xad: {  	[sflag:s4] =	ssyncset.done $0x0  }
0xae: {  	[sflag:s4] =	ssyncadd.s32 $0xFFFFFFC0  }
0xaf: {  	[hbm4b:s9+s3] =	stream.linear.scatter [tilespmem:s3], [sflag:$0x1], $0x40, $0x38;
	[tilespmem:$0x80] =	vst v63  }
0xb0: {  	_ =	swait.ge [sflag:s4], $0x40  }
0xb1: {  	[sflag:s4] =	ssyncset.done $0x0  }
0xb2: {  	[sflag:s4] =	ssyncadd.s32 $0xFFFFFFC0  }
0xb3: {  	[tilespmem:s3], [sflag:$0x1] =	stream.linear.gather [hbm4b:s6+s3], $0x40, $0x38;
	[tilespmem:$0x80] =	vst v63  }
0xb4: {  	_ =	swait.ge [sflag:s4], $0x40  }
0xb5: {  	[sflag:s4] =	ssyncset.done $0x0  }
0xb6: {  	[sflag:s4] =	ssyncadd.s32 $0xFFFFFFC0  }
0xb7: {  	[hbm4b:s10+s3] =	stream.linear.scatter [tilespmem:s3], [sflag:$0x1], $0x40, $0x38;
	[tilespmem:$0x80] =	vst v63  }
0xb8: {  	_ =	swait.ge [sflag:s4], $0x40  }
0xb9: {  	[sflag:s4] =	ssyncset.done $0x0  }
0xba: {  	[sflag:s4] =	ssyncadd.s32 $0xFFFFFFC0  }
0xbb: {  	[tilespmem:s3], [sflag:$0x1] =	stream.linear.gather [hbm4b:s5+s3], $0x40, $0x38;
	[tilespmem:$0x80] =	vst v63  }
0xbc: {  	_ =	swait.ge [sflag:s4], $0x40  }
0xbd: {  	[sflag:s4] =	ssyncset.done $0x0  }
0xbe: {  	[sflag:s4] =	ssyncadd.s32 $0xFFFFFFC0  }
0xbf: {  	[hbm4b:s11+s3] =	stream.linear.scatter [tilespmem:s3], [sflag:$0x1], $0x40, $0x38;
	[tilespmem:$0x80] =	vst v63  }
0xc0: {  	_ =	swait.ge [sflag:s4], $0x40  }
0xc1: {  	[sflag:s4] =	ssyncset.done $0x0  }
0xc2: {  	[sflag:s4] =	ssyncadd.s32 $0xFFFFFFC0  }
0xc3: {  	[tilespmem:s3], [sflag:$0x1] =	stream.linear.gather [hbm4b:s12+s3], $0x40, $0x38;
	[tilespmem:$0x80] =	vst v63  }
0xc4: {  	_ =	swait.ge [sflag:s4], $0x40  }
0xc5: {  	[sflag:s4] =	ssyncset.done $0x0  }
0xc6: {  	[sflag:s4] =	ssyncadd.s32 $0xFFFFFFC0  }
0xc7: {  	[hbm4b:s13+s3] =	stream.linear.scatter [tilespmem:s3], [sflag:$0x1], $0x40, $0x38;
	[tilespmem:$0x80] =	vst v63  }
0xc8: {  	_ =	swait.ge [sflag:s4], $0x40  }
0xc9: {  	[sflag:s4] =	ssyncset.done $0x0  }
0xca: {  	[sflag:s4] =	ssyncadd.s32 $0xFFFFFFC0  }
0xcb: {  	[tilespmem:s3], [sflag:$0x1] =	stream.linear.gather [hbm4b:s8+s3], $0x40, $0x38;
	[tilespmem:$0x80] =	vst v63  }
0xcc: {  	_ =	swait.ge [sflag:s4], $0x40  }
0xcd: {  	[sflag:s4] =	ssyncset.done $0x0  }
0xce: {  	[sflag:s4] =	ssyncadd.s32 $0xFFFFFFC0  }
0xcf: {  	[hbm4b:s14+s3] =	stream.linear.scatter [tilespmem:s3], [sflag:$0x1], $0x40, $0x38;
	[tilespmem:$0x80] =	vst v63  }
0xd0: {  	_ =	swait.ge [sflag:s4], $0x40  }
0xd1: {  	[sflag:s4] =	ssyncset.done $0x0  }
0xd2: {  	[sflag:s4] =	ssyncadd.s32 $0xFFFFFFC0  }
0xd3: {  	[tilespmem:s3], [sflag:$0x1] =	stream.linear.gather [hbm4b:s12+s3], $0x40, $0x38;
	[tilespmem:$0x80] =	vst v63  }
0xd4: {  	_ =	swait.ge [sflag:s4], $0x40  }
0xd5: {  	[sflag:s4] =	ssyncset.done $0x0  }
0xd6: {  	[sflag:s4] =	ssyncadd.s32 $0xFFFFFFC0  }
0xd7: {  	[hbm4b:s15+s3] =	stream.linear.scatter [tilespmem:s3], [sflag:$0x1], $0x40, $0x38;
	[tilespmem:$0x80] =	vst v63  }
0xd8: {  	_ =	swait.ge [sflag:s4], $0x40  }
0xd9: {  	[sflag:s4] =	ssyncset.done $0x0  }
0xda: {  	[sflag:s4] =	ssyncadd.s32 $0xFFFFFFC0  }
0xdb: {  	[tilespmem:s3], [sflag:$0x1] =	stream.linear.gather [hbm4b:s5+s3], $0x40, $0x38;
	[tilespmem:$0x80] =	vst v63  }
0xdc: {  	_ =	swait.ge [sflag:s4], $0x40  }
0xdd: {  	[sflag:s4] =	ssyncset.done $0x0  }
0xde: {  	[sflag:s4] =	ssyncadd.s32 $0xFFFFFFC0  }
0xdf: {  	[hbm4b:s16+s3] =	stream.linear.scatter [tilespmem:s3], [sflag:$0x1], $0x40, $0x38;
	[tilespmem:$0x80] =	vst v63  }
0xe0: {  	_ =	swait.ge [sflag:s4], $0x40  }
0xe1: {  	[sflag:s4] =	ssyncset.done $0x0  }
0xe2: {  	[sflag:s4] =	ssyncadd.s32 $0xFFFFFFC0  }
0xe3: {  	[tilespmem:s3], [sflag:$0x1] =	stream.linear.gather [hbm4b:s17+s3], $0x40, $0x38;
	[tilespmem:$0x80] =	vst v63  }
0xe4: {  	_ =	swait.ge [sflag:s4], $0x40  }
0xe5: {  	[sflag:s4] =	ssyncset.done $0x0  }
0xe6: {  	[sflag:s4] =	ssyncadd.s32 $0xFFFFFFC0  }
0xe7: {  	[hbm4b:s18+s3] =	stream.linear.scatter [tilespmem:s3], [sflag:$0x1], $0x40, $0x38;
	[tilespmem:$0x80] =	vst v63  }
0xe8: {  	_ =	swait.ge [sflag:s4], $0x40  }
0xe9: {  	[sflag:s4] =	ssyncset.done $0x0  }
0xea: {  	[sflag:s4] =	ssyncadd.s32 $0xFFFFFFC0  }
0xeb: {  	[tilespmem:s3], [sflag:$0x1] =	stream.linear.gather [hbm4b:s8+s3], $0x40, $0x38;
	[tilespmem:$0x80] =	vst v63  }
0xec: {  	_ =	swait.ge [sflag:s4], $0x40  }
0xed: {  	[sflag:s4] =	ssyncset.done $0x0  }
0xee: {  	[sflag:s4] =	ssyncadd.s32 $0xFFFFFFC0  }
0xef: {  	[hbm4b:s19+s3] =	stream.linear.scatter [tilespmem:s3], [sflag:$0x1], $0x40, $0x38;
	[tilespmem:$0x80] =	vst v63  }
0xf0: {  	_ =	swait.ge [sflag:s4], $0x40  }
0xf1: {  	[sflag:s4] =	ssyncset.done $0x0  }
0xf2: {  	[sflag:s4] =	ssyncadd.s32 $0xFFFFFFC0  }
0xf3: {  	[tilespmem:s3], [sflag:$0x1] =	stream.linear.gather [hbm4b:s17+s3], $0x40, $0x38;
	[tilespmem:$0x80] =	vst v63  }
0xf4: {  	_ =	swait.ge [sflag:s4], $0x40  }
0xf5: {  	[sflag:s4] =	ssyncset.done $0x0  }
0xf6: {  	[sflag:s4] =	ssyncadd.s32 $0xFFFFFFC0  }
0xf7: {  	[hbm4b:s20+s3] =	stream.linear.scatter [tilespmem:s3], [sflag:$0x1], $0x40, $0x38;
	[tilespmem:$0x80] =	vst v63  }
0xf8: {  	_ =	swait.ge [sflag:s4], $0x40  }
0xf9: {  	[sflag:s4] =	ssyncset.done $0x0  }
0xfa: {  	[sflag:s4] =	ssyncadd.s32 $0xFFFFFFC0  }
0xfb: {  	[tilespmem:s3], [sflag:$0x1] =	stream.linear.gather [hbm4b:s5+s3], $0x40, $0x38;
	[tilespmem:$0x80] =	vst v63  }
0xfc: {  	_ =	swait.ge [sflag:s4], $0x40  }
0xfd: {  	[sflag:s4] =	ssyncset.done $0x0  }
0xfe: {  	[sflag:s4] =	ssyncadd.s32 $0xFFFFFFC0  }
0xff: {  	[hbm4b:s21+s3] =	stream.linear.scatter [tilespmem:s3], [sflag:$0x1], $0x40, $0x38;
	[tilespmem:$0x80] =	vst v63  }
0x100: {  	_ =	swait.ge [sflag:s4], $0x40  }
0x101: {  	[sflag:s4] =	ssyncset.done $0x0  }
0x102: {  	[sflag:s4] =	ssyncadd.s32 $0xFFFFFFC0  }
0x103: {  	[tilespmem:s3], [sflag:$0x1] =	stream.linear.gather [hbm4b:s22+s3], $0x40, $0x38;
	[tilespmem:$0x80] =	vst v63  }
0x104: {  	_ =	swait.ge [sflag:s4], $0x40  }
0x105: {  	[sflag:s4] =	ssyncset.done $0x0  }
0x106: {  	[sflag:s4] =	ssyncadd.s32 $0xFFFFFFC0  }
0x107: {  	[hbm4b:s23+s3] =	stream.linear.scatter [tilespmem:s3], [sflag:$0x1], $0x40, $0x38;
	[tilespmem:$0x80] =	vst v63  }
0x108: {  	_ =	swait.ge [sflag:s4], $0x40  }
0x109: {  	[sflag:s4] =	ssyncset.done $0x0  }
0x10a: {  	[sflag:s4] =	ssyncadd.s32 $0xFFFFFFC0  }
0x10b: {  	[tilespmem:s3], [sflag:$0x1] =	stream.linear.gather [hbm4b:s8+s3], $0x40, $0x38;
	[tilespmem:$0x80] =	vst v63  }
0x10c: {  	_ =	swait.ge [sflag:s4], $0x40  }
0x10d: {  	[sflag:s4] =	ssyncset.done $0x0  }
0x10e: {  	[sflag:s4] =	ssyncadd.s32 $0xFFFFFFC0  }
0x10f: {  	[hbm4b:s24+s3] =	stream.linear.scatter [tilespmem:s3], [sflag:$0x1], $0x40, $0x38;
	[tilespmem:$0x80] =	vst v63  }
0x110: {  	_ =	swait.ge [sflag:s4], $0x40  }
0x111: {  	[sflag:s4] =	ssyncset.done $0x0  }
0x112: {  	[sflag:s4] =	ssyncadd.s32 $0xFFFFFFC0  }
0x113: {  	[tilespmem:s3], [sflag:$0x1] =	stream.linear.gather [hbm4b:s22+s3], $0x40, $0x38;
	[tilespmem:$0x80] =	vst v63  }
0x114: {  	_ =	swait.ge [sflag:s4], $0x40  }
0x115: {  	[sflag:s4] =	ssyncset.done $0x0  }
0x116: {  	[sflag:s4] =	ssyncadd.s32 $0xFFFFFFC0  }
0x117: {  	[hbm4b:s25+s3] =	stream.linear.scatter [tilespmem:s3], [sflag:$0x1], $0x40, $0x38;
	[tilespmem:$0x80] =	vst v63  }
0x118: {  	_ =	swait.ge [sflag:s4], $0x40  }
0x119: {  	[sflag:s4] =	ssyncset.done $0x0  }
0x11a: {  	[sflag:s4] =	ssyncadd.s32 $0xFFFFFFC0  }
0x11b: {  	[tilespmem:s3], [sflag:$0x1] =	stream.linear.gather [hbm4b:s5+s3], $0x40, $0x38;
	[tilespmem:$0x80] =	vst v63  }
0x11c: {  	_ =	swait.ge [sflag:s4], $0x40  }
0x11d: {  	[sflag:s4] =	ssyncset.done $0x0  }
0x11e: {  	[sflag:s4] =	ssyncadd.s32 $0xFFFFFFC0  }
0x11f: {  	[hbm4b:s26+s3] =	stream.linear.scatter [tilespmem:s3], [sflag:$0x1], $0x40, $0x38;
	[tilespmem:$0x80] =	vst v63  }
0x120: {  	_ =	swait.ge [sflag:s4], $0x40  }
0x121: {  	[sflag:s4] =	ssyncset.done $0x0  }
0x122: {  	[sflag:s4] =	ssyncadd.s32 $0xFFFFFFC0  }
0x123: {  	[tilespmem:s3], [sflag:$0x1] =	stream.linear.gather [hbm4b:s28+s3], $0x40, $0x38;
	[tilespmem:$0x80] =	vst v63  }
0x124: {  	_ =	swait.ge [sflag:s4], $0x40  }
.Ltmp2:
0x125: {  	[sflag:s4] =	ssyncset.done $0x0;
	(pc) =	sbr.rel @p0 .LBB2_2-.Ltmp2, $4  }
0x126: {  	[sflag:s4] =	ssyncadd.s32 $0xFFFFFFC0  }
0x127: {  	[hbm4b:s29+s3] =	stream.linear.scatter [tilespmem:s3], [sflag:$0x1], $0x40, $0x38;
	[tilespmem:$0x80] =	vst v63  }
0x128: {  	_ =	swait.ge [sflag:s4], $0x40  }
0x129: {  	[sflag:s4] =	ssyncset.done $0x0  }
.LBB2_3:
0x12a: {  	[sflag:s4] =	ssyncadd.s32 $0xFFFFFFC0  }
.LBB2_4:
0x12b: {  	_ =	sfence.sel $0x180000  }
0x12c: {  	[bflag:$0x0] =	sbarrier.arrive $0xFFFF  }
0x12d: {  	p0 =	sne.s32 s1, $0x0;
	_ =	strace $0x90000047  }
0x12e: {  	s0 =	sadd.s32 @!p0 $0x100000, s0;
	[bflag:$0x2] =	sbarrier.arrive $0xFFFF  }
0x12f: {  	[sflag:s0] =	ssyncadd.tile.s32 @!p0 $0x1;
	_ =	shalt  }
.Lfunc_end2:
_tile_overlayer_lowered:
.L_overlay_start_2:
0x130: {  	(tag) =	ssettag $0x2  }
0x131: {  	s0 =	rddreg [dreg:$0x0];
	s2 =	stileid.u32  }
0x132: {  	s1 =	rddreg [dreg:$0x1];
	p0 =	sne.s32 s2, $0x0  }
0x133: {  	s3 =	rddreg [dreg:$0x2];
	[bflag:$0x3] =	sbarrier.arrive $0xFFFF;
	s2 =	simm.s32 @!p0 $0x1C01  }
0x134: {  	[timem:s3], [sflag:s2] =	dma.local @!p0 [hbm:s0], s1  }
0x135: {  	s0 =	simm.s32 @!p0 $0x1  }
0x136: {  	_ =	swait.ge @!p0 [sflag:s0], s1  }
0x137: {  	s1 =	ssub.s32 @!p0 $0x0, s1;
	[sflag:s0] =	ssyncset.done @!p0 $0x0  }
0x138: {  	[sflag:s0] =	ssyncadd.s32 @!p0 s1  }
0x139: {  	[bflag:$0x3] =	sbarrier.arrive $0xFFFF  }
0x13a: {  	_ =	shalt  }

</sc_bundles>
